<compile_context>
chip_gen: v7x
topology: tpu7x:2x2x1
jax: 0.10.2.dev20260603
libtpu: 0.0.44.dev20260713+nightly
codegen_flags: <defaults>
</compile_context>

<pallas_src>
import functools

import jax
import jax.numpy as jnp
from jax import lax
from jax.experimental import pallas as pl
from jax.experimental.pallas import tpu as pltpu
from jax.experimental.pallas import tpu_sc as plsc

_TARGET = 2048
_SHIFT = 18
_NBINS = 1 << (32 - _SHIFT)
_CAP = 8192


def _norms_body(fe_ref, out_ref):
    x = fe_ref[0]
    out_ref[0, 0] = lax.bitcast_convert_type(jnp.sum(x * x, axis=0), jnp.int32)


def _norms_tc(fe):
    B, C, E = fe.shape
    return pl.pallas_call(
        _norms_body,
        grid=(B,),
        in_specs=[pl.BlockSpec((1, C, E), lambda b: (b, 0, 0))],
        out_specs=pl.BlockSpec((1, 1, E), lambda b: (b, 0, 0)),
        out_shape=jax.ShapeDtypeStruct((B, 1, E), jnp.int32),
    )(fe)


def _make_sc(B, C, E):
    K = _TARGET
    NCH = C // 2
    mesh = plsc.VectorSubcoreMesh(core_axis_name="c", subcore_axis_name="s")

    @functools.partial(
        pl.kernel,
        out_type=jax.ShapeDtypeStruct((B, C * K), jnp.float32),
        mesh=mesh,
        compiler_params=pltpu.CompilerParams(
            needs_layout_passes=False, use_tc_tiling_on_sc=False),
        scratch_types=[
            pltpu.VMEM((E,), jnp.int32),
            pltpu.VMEM((_NBINS,), jnp.int32),
            pltpu.VMEM((_CAP + 64,), jnp.int32),
            pltpu.VMEM((_CAP + 16,), jnp.int32),
            pltpu.VMEM((K + 16,), jnp.int32),
            pltpu.VMEM((8 * K + 16,), jnp.int32),
            pltpu.VMEM((2, 8 * K), jnp.float32),
            pltpu.SemaphoreType.DMA,
            pltpu.SemaphoreType.DMA,
            pltpu.SemaphoreType.DMA,
        ],
    )
    def sc_kernel(fe_hbm, norms_hbm, out_hbm, nv, hist, cval, cidx, fidx,
                  tidx, gbuf, sem_n, sem_g, sem_o):
        ci = lax.axis_index("c")
        si = lax.axis_index("s")
        b = si
        c0 = ci * NCH

        pltpu.async_copy(norms_hbm.at[b, 0], nv, sem_n).wait()

        z16 = jnp.zeros((16,), jnp.int32)

        def zb(i, carry):
            hist[pl.ds(i * 32, 16)] = z16
            hist[pl.ds(i * 32 + 16, 16)] = z16
            return carry

        lax.fori_loop(0, _NBINS // 32, zb, 0)

        ones16 = jnp.ones((16,), jnp.int32)

        def pa(i, vmax):
            u0 = nv[pl.ds(i * 64, 16)]
            u1 = nv[pl.ds(i * 64 + 16, 16)]
            u2 = nv[pl.ds(i * 64 + 32, 16)]
            u3 = nv[pl.ds(i * 64 + 48, 16)]
            plsc.addupdate_scatter(hist, [u0 >> _SHIFT], ones16)
            plsc.addupdate_scatter(hist, [u1 >> _SHIFT], ones16)
            plsc.addupdate_scatter(hist, [u2 >> _SHIFT], ones16)
            plsc.addupdate_scatter(hist, [u3 >> _SHIFT], ones16)
            return jnp.maximum(vmax, jnp.maximum(jnp.maximum(u0, u1),
                                                 jnp.maximum(u2, u3)))

        umax_v = lax.fori_loop(0, E // 64, pa, jnp.zeros((16,), jnp.int32))
        maxbin = jnp.max(umax_v) >> _SHIFT

        def t_cond(c):
            j, cum, T, found = c
            return jnp.logical_not(found) & (j >= 0)

        def t_body(c):
            j, cum, T, found = c
            h = hist[pl.ds(j * 16, 16)]
            r = lax.rev(h, (0,))
            cs = plsc.cumsum(r) + cum
            hit = cs >= K
            nhit = plsc.all_reduce_population_count(hit)[0]
            anyhit = nhit > 0
            p = plsc.all_reduce_ffs(hit)[0]
            Tn = j * 16 + 15 - p
            return (j - 1, cum + jnp.sum(h), jnp.where(anyhit, Tn, T),
                    found | anyhit)

        _, _, T, _ = lax.while_loop(
            t_cond, t_body,
            (maxbin // 16, jnp.int32(0), jnp.int32(0), False))

        iot = lax.iota(jnp.int32, 16)

        def pb(i, pos):
            u0 = nv[pl.ds(i * 32, 16)]
            u1 = nv[pl.ds(i * 32 + 16, 16)]
            m0 = ((u0 >> _SHIFT) >= T) & (pos < _CAP)
            plsc.store_compressed(cval.at[pl.ds(pos, 16)], u0, mask=m0)
            plsc.store_compressed(cidx.at[pl.ds(pos, 16)], i * 32 + iot,
                                  mask=m0)
            pos1 = pos + plsc.all_reduce_population_count(m0)[0]
            m1 = ((u1 >> _SHIFT) >= T) & (pos1 < _CAP)
            plsc.store_compressed(cval.at[pl.ds(pos1, 16)], u1, mask=m1)
            plsc.store_compressed(cidx.at[pl.ds(pos1, 16)], i * 32 + 16 + iot,
                                  mask=m1)
            return pos1 + plsc.all_reduce_population_count(m1)[0]

        M = lax.fori_loop(0, E // 32, pb, jnp.int32(0))
        for q in range(4):
            cval[pl.ds(M + q * 16, 16)] = z16
        nvc = (M + 15) // 16
        nvc4 = (M + 63) // 64

        lo = T << _SHIFT
        hi = lo + ((1 << _SHIFT) - 1)

        def bis(r, carry):
            lo, hi = carry
            mid = lo + ((hi - lo + 1) >> 1)

            def cb(i, acc):
                a0 = (cval[pl.ds(i * 64, 16)] >= mid).astype(jnp.int32)
                a1 = (cval[pl.ds(i * 64 + 16, 16)] >= mid).astype(jnp.int32)
                a2 = (cval[pl.ds(i * 64 + 32, 16)] >= mid).astype(jnp.int32)
                a3 = (cval[pl.ds(i * 64 + 48, 16)] >= mid).astype(jnp.int32)
                return acc + ((a0 + a1) + (a2 + a3))

            cge = jnp.sum(lax.fori_loop(0, nvc4, cb, z16))
            ok = cge >= K
            return jnp.where(ok, mid, lo), jnp.where(ok, hi, mid - 1)

        X, _ = lax.fori_loop(0, _SHIFT, bis, (lo, hi))

        def cg(i, acc):
            a0 = (cval[pl.ds(i * 64, 16)] > X).astype(jnp.int32)
            a1 = (cval[pl.ds(i * 64 + 16, 16)] > X).astype(jnp.int32)
            a2 = (cval[pl.ds(i * 64 + 32, 16)] > X).astype(jnp.int32)
            a3 = (cval[pl.ds(i * 64 + 48, 16)] > X).astype(jnp.int32)
            return acc + ((a0 + a1) + (a2 + a3))

        count_gt = jnp.sum(lax.fori_loop(0, nvc4, cg, z16))
        need_eq = K - count_gt

        def pc(i, carry):
            pos, eqc = carry
            uu = cval[pl.ds(i * 16, 16)]
            ii = cidx[pl.ds(i * 16, 16)]
            ok = (i * 16 + lax.iota(jnp.int32, 16)) < M
            gt = (uu > X) & ok
            eq = (uu == X) & ok
            eqi = eq.astype(jnp.int32)
            rk = plsc.cumsum(eqi) + eqc
            keep = gt | (eq & (rk <= need_eq))
            plsc.store_compressed(fidx.at[pl.ds(pos, 16)], ii, mask=keep)
            return (pos + plsc.all_reduce_population_count(keep)[0],
                    eqc + plsc.all_reduce_population_count(eq)[0])

        lax.fori_loop(0, nvc, pc, (jnp.int32(0), jnp.int32(0)))

        WLEN2 = (E // 128) * 1024
        NGR = NCH // 8
        chbase = ci * NGR

        def txc(i, c2):
            v = fidx[pl.ds(i * 16, 16)]
            t0 = ((v >> 7) << 10) + (v & 127)
            for cl in range(8):
                tidx[pl.ds(cl * K + i * 16, 16)] = t0 + cl * 128
            return c2

        lax.fori_loop(0, K // 16, txc, 0)

        def src3(w):
            base = b * (C * E) + (chbase + w) * (8 * E)
            return fe_hbm.at[pl.ds(base, WLEN2)].at[tidx.at[pl.ds(0, 8 * K)]]

        def outdst3(w):
            return out_hbm.at[b, pl.ds((chbase + w) * (8 * K), 8 * K)]

        pltpu.async_copy(src3(0), gbuf.at[0], sem_g)

        def wloop(w, c2):
            @pl.when(w >= 1)
            def _():
                pltpu.make_async_copy(
                    gbuf.at[(w - 1) % 2], outdst3(w - 1), sem_o).wait()

            @pl.when(w + 1 < NGR)
            def _():
                pltpu.async_copy(src3(w + 1), gbuf.at[(w + 1) % 2], sem_g)

            pltpu.make_async_copy(src3(w), gbuf.at[w % 2], sem_g).wait()
            pltpu.async_copy(gbuf.at[w % 2], outdst3(w), sem_o)
            return c2

        lax.fori_loop(0, NGR, wloop, 0)
        pltpu.make_async_copy(
            gbuf.at[(NGR - 1) % 2], outdst3(NGR - 1), sem_o).wait()

    return sc_kernel


def kernel(fe):
    B, C, E = fe.shape
    norms3 = _norms_tc(fe)
    fe_perm = (fe.reshape(B, C // 8, 8, E // 128, 128)
               .transpose(0, 1, 3, 2, 4).reshape(B * C * E))
    out = _make_sc(B, C, E)(fe_perm, norms3)
    return out.reshape(B, C, _TARGET)

# --- scband reference (transcript-rebuilt; emitter-appended) ---
"""Pipeline reference for scband-mesh-pool-26946624815499 (READ-ONLY COPY).

The authoritative reference and input builder live on the scoring server;
editing this copy changes nothing except your own understanding.
"""

import jax, jax.numpy as jnp
import numpy as np

TARGET = 2048

def setup_inputs(seed: int = 0) -> dict:
    key = jax.random.key(seed)
    fe = jax.random.normal(key, (16, 64, 32768), dtype=jnp.float32)
    return {"fe": fe}

def reference(fe):
    # MeshPool semantics (simplified to its data-movement core):
    # __build_queue ranks edges by squared feature norm (min-heap);
    # edges with the smallest norms are iteratively collapsed until
    # edges_count == target. Net effect: keep the `target` edges with
    # the LARGEST feature norms, preserving original edge order, and
    # gather their features -> [B, C, target].
    norms = jnp.sum(fe * fe, axis=1)                 # [B, E] edge scores
    _, idx = jax.lax.top_k(norms, TARGET)            # surviving edges
    idx = jnp.sort(idx, axis=-1)                     # preserve edge ordering
    out = jnp.take_along_axis(fe, idx[:, None, :], axis=2)  # [B, C, TARGET]
    return out

if __name__ == "__main__":
    import jax
    _d = setup_inputs()
    print(jax.jit(kernel)(*tuple(_d.values())))

</pallas_src>

<mosaic_0001>
#map = affine_map<(d0, d1) -> (0)>
#map1 = affine_map<(d0, d1) -> (0, 0, 0)>
#map2 = affine_map<(d0, d1) -> (0, 0)>
module attributes {stable_mosaic.version = 14 : i64} {
  func.func @sc_kernel(%arg0: i32, %arg1: i32, %arg2: memref<33554432xf32, #tpu.memory_space<hbm>>, %arg3: memref<16x1x32768xi32, #tpu.memory_space<hbm>>, %arg4: memref<16x131072xf32, #tpu.memory_space<hbm>>, %arg5: memref<32768xi32, #tpu.memory_space<vmem>>, %arg6: memref<16384xi32, #tpu.memory_space<vmem>>, %arg7: memref<8256xi32, #tpu.memory_space<vmem>>, %arg8: memref<8208xi32, #tpu.memory_space<vmem>>, %arg9: memref<2064xi32, #tpu.memory_space<vmem>>, %arg10: memref<16400xi32, #tpu.memory_space<vmem>>, %arg11: memref<2x16384xf32, #tpu.memory_space<vmem>>, %arg12: memref<!tpu.dma_semaphore, #tpu.memory_space<semaphore_mem>>, %arg13: memref<!tpu.dma_semaphore, #tpu.memory_space<semaphore_mem>>, %arg14: memref<!tpu.dma_semaphore, #tpu.memory_space<semaphore_mem>>) attributes {dimension_semantics = [#tpu.dimension_semantics<core_parallel>, #tpu.dimension_semantics<subcore_parallel>], iteration_bounds = array<i64: 2, 16>, scalar_prefetch = 0 : i64, scratch_operands = 10 : i64, tpu.core_type = #tpu.core_type<sc_vector_subcore>, window_params = [{transform_indices = #map}, {transform_indices = #map1}, {transform_indices = #map2}]} {
    %mul3A = arith.constant 32 : i32
    %mul3A_0 = arith.muli %arg0, %mul3A : i32
    %dma_start3A = arith.constant 0 : i32
    %dma_start3A_1 = arith.constant 0 : i32
    %dma_start3A_2 = tpu.memref_slice %arg3[%arg1, %dma_start3A, %dma_start3A_1] : memref<16x1x32768xi32, #tpu.memory_space<hbm>> -> memref<1x1x32768xi32, #tpu.memory_space<hbm>>
    %dma_start3A_3 = tpu.memref_squeeze %dma_start3A_2 : memref<1x1x32768xi32, #tpu.memory_space<hbm>> -> memref<32768xi32, #tpu.memory_space<hbm>>
    %dma_start3A_4 = arith.constant 0 : i32
    %dma_start3A_5 = tpu.memref_slice %arg3[%arg1, %dma_start3A, %dma_start3A_4] : memref<16x1x32768xi32, #tpu.memory_space<hbm>> -> memref<1x1x32768xi32, #tpu.memory_space<hbm>>
    %dma_start3A_6 = tpu.memref_squeeze %dma_start3A_5 : memref<1x1x32768xi32, #tpu.memory_space<hbm>> -> memref<32768xi32, #tpu.memory_space<hbm>>
    tpu.enqueue_dma source(%dma_start3A_6 : memref<32768xi32, #tpu.memory_space<hbm>>) target(%arg5 : memref<32768xi32, #tpu.memory_space<vmem>>) target_semaphore(%arg12 : memref<!tpu.dma_semaphore, #tpu.memory_space<semaphore_mem>>)
    %dma_wait3A = arith.constant 0 : i32
    %dma_wait3A_7 = arith.constant 0 : i32
    %dma_wait3A_8 = tpu.memref_slice %arg3[%arg1, %dma_wait3A, %dma_wait3A_7] : memref<16x1x32768xi32, #tpu.memory_space<hbm>> -> memref<1x1x32768xi32, #tpu.memory_space<hbm>>
    %dma_wait3A_9 = tpu.memref_squeeze %dma_wait3A_8 : memref<1x1x32768xi32, #tpu.memory_space<hbm>> -> memref<32768xi32, #tpu.memory_space<hbm>>
    %dma_wait3A_10 = arith.constant 0 : i32
    %dma_wait3A_11 = tpu.memref_slice %arg3[%arg1, %dma_wait3A, %dma_wait3A_10] : memref<16x1x32768xi32, #tpu.memory_space<hbm>> -> memref<1x1x32768xi32, #tpu.memory_space<hbm>>
    %dma_wait3A_12 = tpu.memref_squeeze %dma_wait3A_11 : memref<1x1x32768xi32, #tpu.memory_space<hbm>> -> memref<32768xi32, #tpu.memory_space<hbm>>
    tpu.wait_dma2 semaphore(%arg12 : memref<!tpu.dma_semaphore, #tpu.memory_space<semaphore_mem>>) src(%dma_wait3A_12 : memref<32768xi32, #tpu.memory_space<hbm>>) dst(%arg5 : memref<32768xi32, #tpu.memory_space<vmem>>)
    %broadcast_in_dim3A = arith.constant 0 : i32
    %broadcast_in_dim3A_13 = vector.broadcast %broadcast_in_dim3A : i32 to vector<16xi32>
    %scan3A = arith.constant 0 : i32
    %scan3A_14 = arith.constant 0 : i32
    %scan3A_15 = arith.constant 512 : i32
    %scan3A_16 = arith.addi %scan3A_14, %scan3A_15 : i32
    %scan3A_17 = arith.constant 1 : i32
    scf.for %scan3A_212 = %scan3A_14 to %scan3A_16 step %scan3A_17  : i32 {
      %mul3A_213 = arith.constant 32 : i32
      %mul3A_214 = arith.muli %scan3A_212, %mul3A_213 : i32
      %swap3A_215 = arith.index_cast %mul3A_214 : i32 to index
      %swap3A_216 = tpu.vector_load %arg6[%swap3A_215] {strides = array<i32>} : memref<16384xi32, #tpu.memory_space<vmem>>, vector<16xi32>,
      tpu.vector_store %arg6[%swap3A_215], %broadcast_in_dim3A_13 {strides = array<i32>} : memref<16384xi32, #tpu.memory_space<vmem>>, vector<16xi32>,
      %mul3A_217 = arith.constant 32 : i32
      %mul3A_218 = arith.muli %scan3A_212, %mul3A_217 : i32
      %add3A_219 = arith.constant 16 : i32
      %add3A_220 = arith.addi %mul3A_218, %add3A_219 : i32
      %swap3A_221 = arith.index_cast %add3A_220 : i32 to index
      %swap3A_222 = tpu.vector_load %arg6[%swap3A_221] {strides = array<i32>} : memref<16384xi32, #tpu.memory_space<vmem>>, vector<16xi32>,
      tpu.vector_store %arg6[%swap3A_221], %broadcast_in_dim3A_13 {strides = array<i32>} : memref<16384xi32, #tpu.memory_space<vmem>>, vector<16xi32>,
    }
    %scan3A_18 = arith.constant 512 : i32
    %broadcast_in_dim3A_19 = arith.constant 1 : i32
    %broadcast_in_dim3A_20 = vector.broadcast %broadcast_in_dim3A_19 : i32 to vector<16xi32>
    %broadcast_in_dim3A_21 = arith.constant 0 : i32
    %broadcast_in_dim3A_22 = vector.broadcast %broadcast_in_dim3A_21 : i32 to vector<16xi32>
    %scan3A_23 = arith.constant 0 : i32
    %scan3A_24 = arith.constant 512 : i32
    %scan3A_25 = arith.addi %scan3A_23, %scan3A_24 : i32
    %scan3A_26 = arith.constant 1 : i32
    %scan3A_27 = scf.for %scan3A_212 = %scan3A_23 to %scan3A_25 step %scan3A_26 iter_args(%scan3A_213 = %broadcast_in_dim3A_22) -> (vector<16xi32>)  : i32 {
      %mul3A_214 = arith.constant 64 : i32
      %mul3A_215 = arith.muli %scan3A_212, %mul3A_214 : i32
      %get3A = arith.index_cast %mul3A_215 : i32 to index
      %get3A_216 = tpu.vector_load %arg5[%get3A] {strides = array<i32>} : memref<32768xi32, #tpu.memory_space<vmem>>, vector<16xi32>,
      %mul3A_217 = arith.constant 64 : i32
      %mul3A_218 = arith.muli %scan3A_212, %mul3A_217 : i32
      %add3A_219 = arith.constant 16 : i32
      %add3A_220 = arith.addi %mul3A_218, %add3A_219 : i32
      %get3A_221 = arith.index_cast %add3A_220 : i32 to index
      %get3A_222 = tpu.vector_load %arg5[%get3A_221] {strides = array<i32>} : memref<32768xi32, #tpu.memory_space<vmem>>, vector<16xi32>,
      %mul3A_223 = arith.constant 64 : i32
      %mul3A_224 = arith.muli %scan3A_212, %mul3A_223 : i32
      %add3A_225 = arith.constant 32 : i32
      %add3A_226 = arith.addi %mul3A_224, %add3A_225 : i32
      %get3A_227 = arith.index_cast %add3A_226 : i32 to index
      %get3A_228 = tpu.vector_load %arg5[%get3A_227] {strides = array<i32>} : memref<32768xi32, #tpu.memory_space<vmem>>, vector<16xi32>,
      %mul3A_229 = arith.constant 64 : i32
      %mul3A_230 = arith.muli %scan3A_212, %mul3A_229 : i32
      %add3A_231 = arith.constant 48 : i32
      %add3A_232 = arith.addi %mul3A_230, %add3A_231 : i32
      %get3A_233 = arith.index_cast %add3A_232 : i32 to index
      %get3A_234 = tpu.vector_load %arg5[%get3A_233] {strides = array<i32>} : memref<32768xi32, #tpu.memory_space<vmem>>, vector<16xi32>,
      %shift_right_arithmetic3A_235 = arith.constant 18 : i32
      %shift_right_arithmetic3A_236 = vector.broadcast %shift_right_arithmetic3A_235 : i32 to vector<16xi32>
      %shift_right_arithmetic3A_237 = arith.shrsi %get3A_216, %shift_right_arithmetic3A_236 : vector<16xi32>
      tpu.vector_store_idx %arg6[%shift_right_arithmetic3A_237], %broadcast_in_dim3A_20 {add = true} : memref<16384xi32, #tpu.memory_space<vmem>>[vector<16xi32>], vector<16xi32>,
      %shift_right_arithmetic3A_238 = arith.constant 18 : i32
      %shift_right_arithmetic3A_239 = vector.broadcast %shift_right_arithmetic3A_238 : i32 to vector<16xi32>
      %shift_right_arithmetic3A_240 = arith.shrsi %get3A_222, %shift_right_arithmetic3A_239 : vector<16xi32>
      tpu.vector_store_idx %arg6[%shift_right_arithmetic3A_240], %broadcast_in_dim3A_20 {add = true} : memref<16384xi32, #tpu.memory_space<vmem>>[vector<16xi32>], vector<16xi32>,
      %shift_right_arithmetic3A_241 = arith.constant 18 : i32
      %shift_right_arithmetic3A_242 = vector.broadcast %shift_right_arithmetic3A_241 : i32 to vector<16xi32>
      %shift_right_arithmetic3A_243 = arith.shrsi %get3A_228, %shift_right_arithmetic3A_242 : vector<16xi32>
      tpu.vector_store_idx %arg6[%shift_right_arithmetic3A_243], %broadcast_in_dim3A_20 {add = true} : memref<16384xi32, #tpu.memory_space<vmem>>[vector<16xi32>], vector<16xi32>,
      %shift_right_arithmetic3A_244 = arith.constant 18 : i32
      %shift_right_arithmetic3A_245 = vector.broadcast %shift_right_arithmetic3A_244 : i32 to vector<16xi32>
      %shift_right_arithmetic3A_246 = arith.shrsi %get3A_234, %shift_right_arithmetic3A_245 : vector<16xi32>
      tpu.vector_store_idx %arg6[%shift_right_arithmetic3A_246], %broadcast_in_dim3A_20 {add = true} : memref<16384xi32, #tpu.memory_space<vmem>>[vector<16xi32>], vector<16xi32>,
      %max3A = arith.maxsi %get3A_216, %get3A_222 : vector<16xi32>
      %max3A_247 = arith.maxsi %get3A_228, %get3A_234 : vector<16xi32>
      %max3A_248 = arith.maxsi %max3A, %max3A_247 : vector<16xi32>
      %max3A_249 = arith.maxsi %scan3A_213, %max3A_248 : vector<16xi32>
      scf.yield %max3A_249 : vector<16xi32>
    }
    %scan3A_28 = arith.constant 512 : i32
    %reduce_max3A = arith.constant true
    %reduce_max3A_29 = vector.broadcast %reduce_max3A : i1 to vector<16xi1>
    %reduce_max3A_30 = arith.constant -2147483648 : i32
    %reduce_max3A_31 = vector.broadcast %reduce_max3A_30 : i32 to vector<16xi32>
    %reduce_max3A_32 = arith.xori %scan3A_27, %reduce_max3A_31 : vector<16xi32>
    %reduce_max3A_33 = tpu.scan <max>, %reduce_max3A_32 masked %reduce_max3A_29 : vector<16xi32>, vector<16xi1> -> vector<16xi32>
    %reduce_max3A_34 = arith.xori %reduce_max3A_33, %reduce_max3A_31 : vector<16xi32>
    %reduce_max3A_35 = vector.extract %reduce_max3A_34[15] : i32 from vector<16xi32>
    %shift_right_arithmetic3A = arith.constant 18 : i32
    %shift_right_arithmetic3A_36 = arith.shrsi %reduce_max3A_35, %shift_right_arithmetic3A : i32
    %jit3A = arith.constant 16 : i32
    %div3A = arith.divsi %shift_right_arithmetic3A_36, %jit3A : i32
    %sign3A = arith.constant 0 : i32
    %sign3A_37 = arith.cmpi sgt, %shift_right_arithmetic3A_36, %sign3A : i32
    %sign3A_38 = arith.extui %sign3A_37 : i1 to i32
    %sign3A_39 = arith.constant 0 : i32
    %sign3A_40 = arith.cmpi slt, %shift_right_arithmetic3A_36, %sign3A_39 : i32
    %sign3A_41 = arith.extui %sign3A_40 : i1 to i32
    %sign3A_42 = arith.subi %sign3A_38, %sign3A_41 : i32
    %sign3A_43 = arith.constant 0 : i32
    %sign3A_44 = arith.cmpi sgt, %jit3A, %sign3A_43 : i32
    %sign3A_45 = arith.extui %sign3A_44 : i1 to i32
    %sign3A_46 = arith.constant 0 : i32
    %sign3A_47 = arith.cmpi slt, %jit3A, %sign3A_46 : i32
    %sign3A_48 = arith.extui %sign3A_47 : i1 to i32
    %sign3A_49 = arith.subi %sign3A_45, %sign3A_48 : i32
    %ne3A = arith.cmpi ne, %sign3A_42, %sign3A_49 : i32
    %rem3A = arith.remsi %shift_right_arithmetic3A_36, %jit3A : i32
    %ne3A_50 = arith.constant 0 : i32
    %ne3A_51 = arith.cmpi ne, %rem3A, %ne3A_50 : i32
    %and3A = arith.andi %ne3A, %ne3A_51 : i1
    %sub3A = arith.constant 1 : i32
    %sub3A_52 = arith.subi %div3A, %sub3A : i32
    %select_n3A = arith.select %and3A, %sub3A_52, %div3A : i32
    %while3A = arith.constant 0 : i32
    %while3A_53 = arith.constant 0 : i32
    %while3A_54 = arith.constant false
    %while3A_55:4 = scf.while (%while3A_212 = %select_n3A, %while3A_213 = %while3A, %while3A_214 = %while3A_53, %while3A_215 = %while3A_54) : (i32, i32, i32, i1) -> (i32, i32, i32, i1) {
      %not3A = arith.constant true
      %not3A_216 = arith.xori %while3A_215, %not3A : i1
      %ge3A = arith.constant 0 : i32
      %ge3A_217 = arith.cmpi sge, %while3A_212, %ge3A : i32
      %and3A_218 = arith.andi %not3A_216, %ge3A_217 : i1
      scf.condition(%and3A_218) %while3A_212, %while3A_213, %while3A_214, %while3A_215 : i32, i32, i32, i1
    } do {
    ^bb0(%while3A_212: i32, %while3A_213: i32, %while3A_214: i32, %while3A_215: i1):
      %mul3A_216 = arith.constant 16 : i32
      %mul3A_217 = arith.muli %while3A_212, %mul3A_216 : i32
      %get3A = arith.index_cast %mul3A_217 : i32 to index
      %get3A_218 = tpu.vector_load %arg6[%get3A] {strides = array<i32>} : memref<16384xi32, #tpu.memory_space<vmem>>, vector<16xi32>,
      %rev3A = arith.constant 15 : i32
      %rev3A_219 = vector.broadcast %rev3A : i32 to vector<16xi32>
      %rev3A_220 = tpu.iota {dimensions = array<i32: 0>} : vector<16xi32>
      %rev3A_221 = arith.subi %rev3A_219, %rev3A_220 : vector<16xi32>
      %rev3A_222 = tpu.dynamic_gather %get3A_218[%rev3A_221] in [0] : vector<16xi32>, vector<16xi32> -> vector<16xi32>
      %broadcast_in_dim3A_223 = arith.constant true
      %broadcast_in_dim3A_224 = vector.broadcast %broadcast_in_dim3A_223 : i1 to vector<16xi1>
      %masked_cumsum3A = tpu.scan <sum>, %rev3A_222 masked %broadcast_in_dim3A_224 : vector<16xi32>, vector<16xi1> -> vector<16xi32>
      %add3A_225 = vector.broadcast %while3A_213 : i32 to vector<16xi32>
      %add3A_226 = arith.addi %masked_cumsum3A, %add3A_225 : vector<16xi32>
      %ge3A = arith.constant 2048 : i32
      %ge3A_227 = vector.broadcast %ge3A : i32 to vector<16xi32>
      %ge3A_228 = arith.cmpi sge, %add3A_226, %ge3A_227 : vector<16xi32>
      %all_reduce_population_count3A = tpu.all_reduce %ge3A_228 {dim = 0 : i64, kind = #tpu.reduction_kind<sum>} : vector<16xi1> -> vector<16xi32>
      %slice3A = vector.extract_strided_slice %all_reduce_population_count3A {offsets = [0], sizes = [1], strides = [1]} : vector<16xi32> to vector<1xi32>
      %squeeze3A = vector.extract %slice3A[0] : i32 from vector<1xi32>
      %gt3A = arith.constant 0 : i32
      %gt3A_229 = arith.cmpi sgt, %squeeze3A, %gt3A : i32
      %all_reduce_ffs3A = tpu.all_reduce %ge3A_228 {dim = 0 : i64, kind = #tpu.reduction_kind<find_first_set>} : vector<16xi1> -> vector<16xi32>
      %slice3A_230 = vector.extract_strided_slice %all_reduce_ffs3A {offsets = [0], sizes = [1], strides = [1]} : vector<16xi32> to vector<1xi32>
      %squeeze3A_231 = vector.extract %slice3A_230[0] : i32 from vector<1xi32>
      %mul3A_232 = arith.constant 16 : i32
      %mul3A_233 = arith.muli %while3A_212, %mul3A_232 : i32
      %add3A_234 = arith.constant 15 : i32
      %add3A_235 = arith.addi %mul3A_233, %add3A_234 : i32
      %sub3A_236 = arith.subi %add3A_235, %squeeze3A_231 : i32
      %sub3A_237 = arith.constant 1 : i32
      %sub3A_238 = arith.subi %while3A_212, %sub3A_237 : i32
      %reduce_sum3A_239 = arith.constant true
      %reduce_sum3A_240 = vector.broadcast %reduce_sum3A_239 : i1 to vector<16xi1>
      %reduce_sum3A_241 = tpu.scan <sum>, %get3A_218 masked %reduce_sum3A_240 : vector<16xi32>, vector<16xi1> -> vector<16xi32>
      %reduce_sum3A_242 = vector.extract %reduce_sum3A_241[15] : i32 from vector<16xi32>
      %add3A_243 = arith.addi %while3A_213, %reduce_sum3A_242 : i32
      %select_n3A_244 = arith.select %gt3A_229, %sub3A_236, %while3A_214 : i32
      %or3A = arith.ori %while3A_215, %gt3A_229 : i1
      scf.yield %sub3A_238, %add3A_243, %select_n3A_244, %or3A : i32, i32, i32, i1
    }
    %iota3A = tpu.iota {dimensions = array<i32: 0>} : vector<16xi32>
    %scan3A_56 = arith.constant 0 : i32
    %scan3A_57 = arith.constant 0 : i32
    %scan3A_58 = arith.constant 1024 : i32
    %scan3A_59 = arith.addi %scan3A_57, %scan3A_58 : i32
    %scan3A_60 = arith.constant 1 : i32
    %scan3A_61 = scf.for %scan3A_212 = %scan3A_57 to %scan3A_59 step %scan3A_60 iter_args(%scan3A_213 = %scan3A_56) -> (i32)  : i32 {
      %mul3A_214 = arith.constant 32 : i32
      %mul3A_215 = arith.muli %scan3A_212, %mul3A_214 : i32
      %get3A = arith.index_cast %mul3A_215 : i32 to index
      %get3A_216 = tpu.vector_load %arg5[%get3A] {strides = array<i32>} : memref<32768xi32, #tpu.memory_space<vmem>>, vector<16xi32>,
      %mul3A_217 = arith.constant 32 : i32
      %mul3A_218 = arith.muli %scan3A_212, %mul3A_217 : i32
      %add3A_219 = arith.constant 16 : i32
      %add3A_220 = arith.addi %mul3A_218, %add3A_219 : i32
      %get3A_221 = arith.index_cast %add3A_220 : i32 to index
      %get3A_222 = tpu.vector_load %arg5[%get3A_221] {strides = array<i32>} : memref<32768xi32, #tpu.memory_space<vmem>>, vector<16xi32>,
      %shift_right_arithmetic3A_223 = arith.constant 18 : i32
      %shift_right_arithmetic3A_224 = vector.broadcast %shift_right_arithmetic3A_223 : i32 to vector<16xi32>
      %shift_right_arithmetic3A_225 = arith.shrsi %get3A_216, %shift_right_arithmetic3A_224 : vector<16xi32>
      %ge3A = vector.broadcast %while3A_55#2 : i32 to vector<16xi32>
      %ge3A_226 = arith.cmpi sge, %shift_right_arithmetic3A_225, %ge3A : vector<16xi32>
      %lt3A = arith.constant 8192 : i32
      %lt3A_227 = arith.cmpi slt, %scan3A_213, %lt3A : i32
      %and3A_228 = vector.broadcast %lt3A_227 : i1 to vector<16xi1>
      %and3A_229 = arith.andi %ge3A_226, %and3A_228 : vector<16xi1>
      %swap3A_230 = arith.index_cast %scan3A_213 : i32 to index
      %swap3A_231 = tpu.vector_load %arg7[%swap3A_230] masked %and3A_229 {strides = array<i32>} : memref<8256xi32, #tpu.memory_space<vmem>>, vector<16xi32>, vector<16xi1>
      tpu.vector_store %arg7[%swap3A_230], %get3A_216 masked %and3A_229 {strides = array<i32>} : memref<8256xi32, #tpu.memory_space<vmem>>, vector<16xi32>, vector<16xi1>
      %mul3A_232 = arith.constant 32 : i32
      %mul3A_233 = arith.muli %scan3A_212, %mul3A_232 : i32
      %add3A_234 = vector.broadcast %mul3A_233 : i32 to vector<16xi32>
      %add3A_235 = arith.addi %add3A_234, %iota3A : vector<16xi32>
      %swap3A_236 = arith.index_cast %scan3A_213 : i32 to index
      %swap3A_237 = tpu.vector_load %arg8[%swap3A_236] masked %and3A_229 {strides = array<i32>} : memref<8208xi32, #tpu.memory_space<vmem>>, vector<16xi32>, vector<16xi1>
      tpu.vector_store %arg8[%swap3A_236], %add3A_235 masked %and3A_229 {strides = array<i32>} : memref<8208xi32, #tpu.memory_space<vmem>>, vector<16xi32>, vector<16xi1>
      %all_reduce_population_count3A = tpu.all_reduce %and3A_229 {dim = 0 : i64, kind = #tpu.reduction_kind<sum>} : vector<16xi1> -> vector<16xi32>
      %slice3A = vector.extract_strided_slice %all_reduce_population_count3A {offsets = [0], sizes = [1], strides = [1]} : vector<16xi32> to vector<1xi32>
      %squeeze3A = vector.extract %slice3A[0] : i32 from vector<1xi32>
      %add3A_238 = arith.addi %scan3A_213, %squeeze3A : i32
      %shift_right_arithmetic3A_239 = arith.constant 18 : i32
      %shift_right_arithmetic3A_240 = vector.broadcast %shift_right_arithmetic3A_239 : i32 to vector<16xi32>
      %shift_right_arithmetic3A_241 = arith.shrsi %get3A_222, %shift_right_arithmetic3A_240 : vector<16xi32>
      %ge3A_242 = vector.broadcast %while3A_55#2 : i32 to vector<16xi32>
      %ge3A_243 = arith.cmpi sge, %shift_right_arithmetic3A_241, %ge3A_242 : vector<16xi32>
      %lt3A_244 = arith.constant 8192 : i32
      %lt3A_245 = arith.cmpi slt, %add3A_238, %lt3A_244 : i32
      %and3A_246 = vector.broadcast %lt3A_245 : i1 to vector<16xi1>
      %and3A_247 = arith.andi %ge3A_243, %and3A_246 : vector<16xi1>
      %swap3A_248 = arith.index_cast %add3A_238 : i32 to index
      %swap3A_249 = tpu.vector_load %arg7[%swap3A_248] masked %and3A_247 {strides = array<i32>} : memref<8256xi32, #tpu.memory_space<vmem>>, vector<16xi32>, vector<16xi1>
      tpu.vector_store %arg7[%swap3A_248], %get3A_222 masked %and3A_247 {strides = array<i32>} : memref<8256xi32, #tpu.memory_space<vmem>>, vector<16xi32>, vector<16xi1>
      %mul3A_250 = arith.constant 32 : i32
      %mul3A_251 = arith.muli %scan3A_212, %mul3A_250 : i32
      %add3A_252 = arith.constant 16 : i32
      %add3A_253 = arith.addi %mul3A_251, %add3A_252 : i32
      %add3A_254 = vector.broadcast %add3A_253 : i32 to vector<16xi32>
      %add3A_255 = arith.addi %add3A_254, %iota3A : vector<16xi32>
      %swap3A_256 = arith.index_cast %add3A_238 : i32 to index
      %swap3A_257 = tpu.vector_load %arg8[%swap3A_256] masked %and3A_247 {strides = array<i32>} : memref<8208xi32, #tpu.memory_space<vmem>>, vector<16xi32>, vector<16xi1>
      tpu.vector_store %arg8[%swap3A_256], %add3A_255 masked %and3A_247 {strides = array<i32>} : memref<8208xi32, #tpu.memory_space<vmem>>, vector<16xi32>, vector<16xi1>
      %all_reduce_population_count3A_258 = tpu.all_reduce %and3A_247 {dim = 0 : i64, kind = #tpu.reduction_kind<sum>} : vector<16xi1> -> vector<16xi32>
      %slice3A_259 = vector.extract_strided_slice %all_reduce_population_count3A_258 {offsets = [0], sizes = [1], strides = [1]} : vector<16xi32> to vector<1xi32>
      %squeeze3A_260 = vector.extract %slice3A_259[0] : i32 from vector<1xi32>
      %add3A_261 = arith.addi %add3A_238, %squeeze3A_260 : i32
      scf.yield %add3A_261 : i32
    }
    %scan3A_62 = arith.constant 1024 : i32
    %add3A = arith.constant 0 : i32
    %add3A_63 = arith.addi %scan3A_61, %add3A : i32
    %swap3A = arith.index_cast %add3A_63 : i32 to index
    %swap3A_64 = tpu.vector_load %arg7[%swap3A] {strides = array<i32>} : memref<8256xi32, #tpu.memory_space<vmem>>, vector<16xi32>,
    tpu.vector_store %arg7[%swap3A], %broadcast_in_dim3A_13 {strides = array<i32>} : memref<8256xi32, #tpu.memory_space<vmem>>, vector<16xi32>,
    %add3A_65 = arith.constant 16 : i32
    %add3A_66 = arith.addi %scan3A_61, %add3A_65 : i32
    %swap3A_67 = arith.index_cast %add3A_66 : i32 to index
    %swap3A_68 = tpu.vector_load %arg7[%swap3A_67] {strides = array<i32>} : memref<8256xi32, #tpu.memory_space<vmem>>, vector<16xi32>,
    tpu.vector_store %arg7[%swap3A_67], %broadcast_in_dim3A_13 {strides = array<i32>} : memref<8256xi32, #tpu.memory_space<vmem>>, vector<16xi32>,
    %add3A_69 = arith.constant 32 : i32
    %add3A_70 = arith.addi %scan3A_61, %add3A_69 : i32
    %swap3A_71 = arith.index_cast %add3A_70 : i32 to index
    %swap3A_72 = tpu.vector_load %arg7[%swap3A_71] {strides = array<i32>} : memref<8256xi32, #tpu.memory_space<vmem>>, vector<16xi32>,
    tpu.vector_store %arg7[%swap3A_71], %broadcast_in_dim3A_13 {strides = array<i32>} : memref<8256xi32, #tpu.memory_space<vmem>>, vector<16xi32>,
    %add3A_73 = arith.constant 48 : i32
    %add3A_74 = arith.addi %scan3A_61, %add3A_73 : i32
    %swap3A_75 = arith.index_cast %add3A_74 : i32 to index
    %swap3A_76 = tpu.vector_load %arg7[%swap3A_75] {strides = array<i32>} : memref<8256xi32, #tpu.memory_space<vmem>>, vector<16xi32>,
    tpu.vector_store %arg7[%swap3A_75], %broadcast_in_dim3A_13 {strides = array<i32>} : memref<8256xi32, #tpu.memory_space<vmem>>, vector<16xi32>,
    %add3A_77 = arith.constant 15 : i32
    %add3A_78 = arith.addi %scan3A_61, %add3A_77 : i32
    %jit3A_79 = arith.constant 16 : i32
    %div3A_80 = arith.divsi %add3A_78, %jit3A_79 : i32
    %sign3A_81 = arith.constant 0 : i32
    %sign3A_82 = arith.cmpi sgt, %add3A_78, %sign3A_81 : i32
    %sign3A_83 = arith.extui %sign3A_82 : i1 to i32
    %sign3A_84 = arith.constant 0 : i32
    %sign3A_85 = arith.cmpi slt, %add3A_78, %sign3A_84 : i32
    %sign3A_86 = arith.extui %sign3A_85 : i1 to i32
    %sign3A_87 = arith.subi %sign3A_83, %sign3A_86 : i32
    %sign3A_88 = arith.constant 0 : i32
    %sign3A_89 = arith.cmpi sgt, %jit3A_79, %sign3A_88 : i32
    %sign3A_90 = arith.extui %sign3A_89 : i1 to i32
    %sign3A_91 = arith.constant 0 : i32
    %sign3A_92 = arith.cmpi slt, %jit3A_79, %sign3A_91 : i32
    %sign3A_93 = arith.extui %sign3A_92 : i1 to i32
    %sign3A_94 = arith.subi %sign3A_90, %sign3A_93 : i32
    %ne3A_95 = arith.cmpi ne, %sign3A_87, %sign3A_94 : i32
    %rem3A_96 = arith.remsi %add3A_78, %jit3A_79 : i32
    %ne3A_97 = arith.constant 0 : i32
    %ne3A_98 = arith.cmpi ne, %rem3A_96, %ne3A_97 : i32
    %and3A_99 = arith.andi %ne3A_95, %ne3A_98 : i1
    %sub3A_100 = arith.constant 1 : i32
    %sub3A_101 = arith.subi %div3A_80, %sub3A_100 : i32
    %select_n3A_102 = arith.select %and3A_99, %sub3A_101, %div3A_80 : i32
    %add3A_103 = arith.constant 63 : i32
    %add3A_104 = arith.addi %scan3A_61, %add3A_103 : i32
    %jit3A_105 = arith.constant 64 : i32
    %div3A_106 = arith.divsi %add3A_104, %jit3A_105 : i32
    %sign3A_107 = arith.constant 0 : i32
    %sign3A_108 = arith.cmpi sgt, %add3A_104, %sign3A_107 : i32
    %sign3A_109 = arith.extui %sign3A_108 : i1 to i32
    %sign3A_110 = arith.constant 0 : i32
    %sign3A_111 = arith.cmpi slt, %add3A_104, %sign3A_110 : i32
    %sign3A_112 = arith.extui %sign3A_111 : i1 to i32
    %sign3A_113 = arith.subi %sign3A_109, %sign3A_112 : i32
    %sign3A_114 = arith.constant 0 : i32
    %sign3A_115 = arith.cmpi sgt, %jit3A_105, %sign3A_114 : i32
    %sign3A_116 = arith.extui %sign3A_115 : i1 to i32
    %sign3A_117 = arith.constant 0 : i32
    %sign3A_118 = arith.cmpi slt, %jit3A_105, %sign3A_117 : i32
    %sign3A_119 = arith.extui %sign3A_118 : i1 to i32
    %sign3A_120 = arith.subi %sign3A_116, %sign3A_119 : i32
    %ne3A_121 = arith.cmpi ne, %sign3A_113, %sign3A_120 : i32
    %rem3A_122 = arith.remsi %add3A_104, %jit3A_105 : i32
    %ne3A_123 = arith.constant 0 : i32
    %ne3A_124 = arith.cmpi ne, %rem3A_122, %ne3A_123 : i32
    %and3A_125 = arith.andi %ne3A_121, %ne3A_124 : i1
    %sub3A_126 = arith.constant 1 : i32
    %sub3A_127 = arith.subi %div3A_106, %sub3A_126 : i32
    %select_n3A_128 = arith.select %and3A_125, %sub3A_127, %div3A_106 : i32
    %shift_left3A = arith.constant 18 : i32
    %shift_left3A_129 = arith.shli %while3A_55#2, %shift_left3A : i32
    %add3A_130 = arith.constant 262143 : i32
    %add3A_131 = arith.addi %shift_left3A_129, %add3A_130 : i32
    %scan3A_132 = arith.constant 0 : i32
    %scan3A_133 = arith.constant 18 : i32
    %scan3A_134 = arith.addi %scan3A_132, %scan3A_133 : i32
    %scan3A_135 = arith.constant 1 : i32
    %scan3A_136:2 = scf.for %scan3A_212 = %scan3A_132 to %scan3A_134 step %scan3A_135 iter_args(%scan3A_213 = %shift_left3A_129, %scan3A_214 = %add3A_131) -> (i32, i32)  : i32 {
      %sub3A_215 = arith.subi %scan3A_214, %scan3A_213 : i32
      %add3A_216 = arith.constant 1 : i32
      %add3A_217 = arith.addi %sub3A_215, %add3A_216 : i32
      %shift_right_arithmetic3A_218 = arith.constant 1 : i32
      %shift_right_arithmetic3A_219 = arith.shrsi %add3A_217, %shift_right_arithmetic3A_218 : i32
      %add3A_220 = arith.addi %scan3A_213, %shift_right_arithmetic3A_219 : i32
      %while3A_221 = arith.constant 0 : i32
      %while3A_222 = arith.subi %select_n3A_128, %while3A_221 : i32
      %while3A_223 = arith.addi %while3A_221, %while3A_222 : i32
      %while3A_224 = arith.constant 1 : i32
      %while3A_225 = arith.divsi %while3A_222, %while3A_224 : i32
      %while3A_226 = arith.muli %while3A_225, %while3A_224 : i32
      %while3A_227 = arith.addi %while3A_221, %while3A_226 : i32
      %while3A_228 = arith.constant 1 : i32
      %while3A_229 = scf.for %while3A_241 = %while3A_221 to %while3A_227 step %while3A_228 iter_args(%while3A_242 = %broadcast_in_dim3A_13) -> (vector<16xi32>)  : i32 {
        %mul3A_243 = arith.constant 64 : i32
        %mul3A_244 = arith.muli %while3A_241, %mul3A_243 : i32
        %get3A = arith.index_cast %mul3A_244 : i32 to index
        %get3A_245 = tpu.vector_load %arg7[%get3A] {strides = array<i32>} : memref<8256xi32, #tpu.memory_space<vmem>>, vector<16xi32>,
        %ge3A_246 = vector.broadcast %add3A_220 : i32 to vector<16xi32>
        %ge3A_247 = arith.cmpi sge, %get3A_245, %ge3A_246 : vector<16xi32>
        %convert_element_type3A = arith.extui %ge3A_247 : vector<16xi1> to vector<16xi32>
        %mul3A_248 = arith.constant 64 : i32
        %mul3A_249 = arith.muli %while3A_241, %mul3A_248 : i32
        %add3A_250 = arith.constant 16 : i32
        %add3A_251 = arith.addi %mul3A_249, %add3A_250 : i32
        %get3A_252 = arith.index_cast %add3A_251 : i32 to index
        %get3A_253 = tpu.vector_load %arg7[%get3A_252] {strides = array<i32>} : memref<8256xi32, #tpu.memory_space<vmem>>, vector<16xi32>,
        %ge3A_254 = vector.broadcast %add3A_220 : i32 to vector<16xi32>
        %ge3A_255 = arith.cmpi sge, %get3A_253, %ge3A_254 : vector<16xi32>
        %convert_element_type3A_256 = arith.extui %ge3A_255 : vector<16xi1> to vector<16xi32>
        %mul3A_257 = arith.constant 64 : i32
        %mul3A_258 = arith.muli %while3A_241, %mul3A_257 : i32
        %add3A_259 = arith.constant 32 : i32
        %add3A_260 = arith.addi %mul3A_258, %add3A_259 : i32
        %get3A_261 = arith.index_cast %add3A_260 : i32 to index
        %get3A_262 = tpu.vector_load %arg7[%get3A_261] {strides = array<i32>} : memref<8256xi32, #tpu.memory_space<vmem>>, vector<16xi32>,
        %ge3A_263 = vector.broadcast %add3A_220 : i32 to vector<16xi32>
        %ge3A_264 = arith.cmpi sge, %get3A_262, %ge3A_263 : vector<16xi32>
        %convert_element_type3A_265 = arith.extui %ge3A_264 : vector<16xi1> to vector<16xi32>
        %mul3A_266 = arith.constant 64 : i32
        %mul3A_267 = arith.muli %while3A_241, %mul3A_266 : i32
        %add3A_268 = arith.constant 48 : i32
        %add3A_269 = arith.addi %mul3A_267, %add3A_268 : i32
        %get3A_270 = arith.index_cast %add3A_269 : i32 to index
        %get3A_271 = tpu.vector_load %arg7[%get3A_270] {strides = array<i32>} : memref<8256xi32, #tpu.memory_space<vmem>>, vector<16xi32>,
        %ge3A_272 = vector.broadcast %add3A_220 : i32 to vector<16xi32>
        %ge3A_273 = arith.cmpi sge, %get3A_271, %ge3A_272 : vector<16xi32>
        %convert_element_type3A_274 = arith.extui %ge3A_273 : vector<16xi1> to vector<16xi32>
        %add3A_275 = arith.addi %convert_element_type3A, %convert_element_type3A_256 : vector<16xi32>
        %add3A_276 = arith.addi %convert_element_type3A_265, %convert_element_type3A_274 : vector<16xi32>
        %add3A_277 = arith.addi %add3A_275, %add3A_276 : vector<16xi32>
        %add3A_278 = arith.addi %while3A_242, %add3A_277 : vector<16xi32>
        scf.yield %add3A_278 : vector<16xi32>
      }
      %while3A_230 = arith.constant 1 : i32
      %while3A_231 = scf.for %while3A_241 = %while3A_227 to %while3A_223 step %while3A_230 iter_args(%while3A_242 = %while3A_229) -> (vector<16xi32>)  : i32 {
        %mul3A_243 = arith.constant 64 : i32
        %mul3A_244 = arith.muli %while3A_241, %mul3A_243 : i32
        %get3A = arith.index_cast %mul3A_244 : i32 to index
        %get3A_245 = tpu.vector_load %arg7[%get3A] {strides = array<i32>} : memref<8256xi32, #tpu.memory_space<vmem>>, vector<16xi32>,
        %ge3A_246 = vector.broadcast %add3A_220 : i32 to vector<16xi32>
        %ge3A_247 = arith.cmpi sge, %get3A_245, %ge3A_246 : vector<16xi32>
        %convert_element_type3A = arith.extui %ge3A_247 : vector<16xi1> to vector<16xi32>
        %mul3A_248 = arith.constant 64 : i32
        %mul3A_249 = arith.muli %while3A_241, %mul3A_248 : i32
        %add3A_250 = arith.constant 16 : i32
        %add3A_251 = arith.addi %mul3A_249, %add3A_250 : i32
        %get3A_252 = arith.index_cast %add3A_251 : i32 to index
        %get3A_253 = tpu.vector_load %arg7[%get3A_252] {strides = array<i32>} : memref<8256xi32, #tpu.memory_space<vmem>>, vector<16xi32>,
        %ge3A_254 = vector.broadcast %add3A_220 : i32 to vector<16xi32>
        %ge3A_255 = arith.cmpi sge, %get3A_253, %ge3A_254 : vector<16xi32>
        %convert_element_type3A_256 = arith.extui %ge3A_255 : vector<16xi1> to vector<16xi32>
        %mul3A_257 = arith.constant 64 : i32
        %mul3A_258 = arith.muli %while3A_241, %mul3A_257 : i32
        %add3A_259 = arith.constant 32 : i32
        %add3A_260 = arith.addi %mul3A_258, %add3A_259 : i32
        %get3A_261 = arith.index_cast %add3A_260 : i32 to index
        %get3A_262 = tpu.vector_load %arg7[%get3A_261] {strides = array<i32>} : memref<8256xi32, #tpu.memory_space<vmem>>, vector<16xi32>,
        %ge3A_263 = vector.broadcast %add3A_220 : i32 to vector<16xi32>
        %ge3A_264 = arith.cmpi sge, %get3A_262, %ge3A_263 : vector<16xi32>
        %convert_element_type3A_265 = arith.extui %ge3A_264 : vector<16xi1> to vector<16xi32>
        %mul3A_266 = arith.constant 64 : i32
        %mul3A_267 = arith.muli %while3A_241, %mul3A_266 : i32
        %add3A_268 = arith.constant 48 : i32
        %add3A_269 = arith.addi %mul3A_267, %add3A_268 : i32
        %get3A_270 = arith.index_cast %add3A_269 : i32 to index
        %get3A_271 = tpu.vector_load %arg7[%get3A_270] {strides = array<i32>} : memref<8256xi32, #tpu.memory_space<vmem>>, vector<16xi32>,
        %ge3A_272 = vector.broadcast %add3A_220 : i32 to vector<16xi32>
        %ge3A_273 = arith.cmpi sge, %get3A_271, %ge3A_272 : vector<16xi32>
        %convert_element_type3A_274 = arith.extui %ge3A_273 : vector<16xi1> to vector<16xi32>
        %add3A_275 = arith.addi %convert_element_type3A, %convert_element_type3A_256 : vector<16xi32>
        %add3A_276 = arith.addi %convert_element_type3A_265, %convert_element_type3A_274 : vector<16xi32>
        %add3A_277 = arith.addi %add3A_275, %add3A_276 : vector<16xi32>
        %add3A_278 = arith.addi %while3A_242, %add3A_277 : vector<16xi32>
        scf.yield %add3A_278 : vector<16xi32>
      }
      %reduce_sum3A_232 = arith.constant true
      %reduce_sum3A_233 = vector.broadcast %reduce_sum3A_232 : i1 to vector<16xi1>
      %reduce_sum3A_234 = tpu.scan <sum>, %while3A_231 masked %reduce_sum3A_233 : vector<16xi32>, vector<16xi1> -> vector<16xi32>
      %reduce_sum3A_235 = vector.extract %reduce_sum3A_234[15] : i32 from vector<16xi32>
      %ge3A = arith.constant 2048 : i32
      %ge3A_236 = arith.cmpi sge, %reduce_sum3A_235, %ge3A : i32
      %select_n3A_237 = arith.select %ge3A_236, %add3A_220, %scan3A_213 : i32
      %sub3A_238 = arith.constant 1 : i32
      %sub3A_239 = arith.subi %add3A_220, %sub3A_238 : i32
      %select_n3A_240 = arith.select %ge3A_236, %scan3A_214, %sub3A_239 : i32
      scf.yield %select_n3A_237, %select_n3A_240 : i32, i32
    }
    %scan3A_137 = arith.constant 18 : i32
    %while3A_138 = arith.constant 0 : i32
    %while3A_139 = arith.subi %select_n3A_128, %while3A_138 : i32
    %while3A_140 = arith.addi %while3A_138, %while3A_139 : i32
    %while3A_141 = arith.constant 1 : i32
    %while3A_142 = arith.divsi %while3A_139, %while3A_141 : i32
    %while3A_143 = arith.muli %while3A_142, %while3A_141 : i32
    %while3A_144 = arith.addi %while3A_138, %while3A_143 : i32
    %while3A_145 = arith.constant 1 : i32
    %while3A_146 = scf.for %while3A_212 = %while3A_138 to %while3A_144 step %while3A_145 iter_args(%while3A_213 = %broadcast_in_dim3A_13) -> (vector<16xi32>)  : i32 {
      %mul3A_214 = arith.constant 64 : i32
      %mul3A_215 = arith.muli %while3A_212, %mul3A_214 : i32
      %get3A = arith.index_cast %mul3A_215 : i32 to index
      %get3A_216 = tpu.vector_load %arg7[%get3A] {strides = array<i32>} : memref<8256xi32, #tpu.memory_space<vmem>>, vector<16xi32>,
      %gt3A = vector.broadcast %scan3A_136#0 : i32 to vector<16xi32>
      %gt3A_217 = arith.cmpi sgt, %get3A_216, %gt3A : vector<16xi32>
      %convert_element_type3A = arith.extui %gt3A_217 : vector<16xi1> to vector<16xi32>
      %mul3A_218 = arith.constant 64 : i32
      %mul3A_219 = arith.muli %while3A_212, %mul3A_218 : i32
      %add3A_220 = arith.constant 16 : i32
      %add3A_221 = arith.addi %mul3A_219, %add3A_220 : i32
      %get3A_222 = arith.index_cast %add3A_221 : i32 to index
      %get3A_223 = tpu.vector_load %arg7[%get3A_222] {strides = array<i32>} : memref<8256xi32, #tpu.memory_space<vmem>>, vector<16xi32>,
      %gt3A_224 = vector.broadcast %scan3A_136#0 : i32 to vector<16xi32>
      %gt3A_225 = arith.cmpi sgt, %get3A_223, %gt3A_224 : vector<16xi32>
      %convert_element_type3A_226 = arith.extui %gt3A_225 : vector<16xi1> to vector<16xi32>
      %mul3A_227 = arith.constant 64 : i32
      %mul3A_228 = arith.muli %while3A_212, %mul3A_227 : i32
      %add3A_229 = arith.constant 32 : i32
      %add3A_230 = arith.addi %mul3A_228, %add3A_229 : i32
      %get3A_231 = arith.index_cast %add3A_230 : i32 to index
      %get3A_232 = tpu.vector_load %arg7[%get3A_231] {strides = array<i32>} : memref<8256xi32, #tpu.memory_space<vmem>>, vector<16xi32>,
      %gt3A_233 = vector.broadcast %scan3A_136#0 : i32 to vector<16xi32>
      %gt3A_234 = arith.cmpi sgt, %get3A_232, %gt3A_233 : vector<16xi32>
      %convert_element_type3A_235 = arith.extui %gt3A_234 : vector<16xi1> to vector<16xi32>
      %mul3A_236 = arith.constant 64 : i32
      %mul3A_237 = arith.muli %while3A_212, %mul3A_236 : i32
      %add3A_238 = arith.constant 48 : i32
      %add3A_239 = arith.addi %mul3A_237, %add3A_238 : i32
      %get3A_240 = arith.index_cast %add3A_239 : i32 to index
      %get3A_241 = tpu.vector_load %arg7[%get3A_240] {strides = array<i32>} : memref<8256xi32, #tpu.memory_space<vmem>>, vector<16xi32>,
      %gt3A_242 = vector.broadcast %scan3A_136#0 : i32 to vector<16xi32>
      %gt3A_243 = arith.cmpi sgt, %get3A_241, %gt3A_242 : vector<16xi32>
      %convert_element_type3A_244 = arith.extui %gt3A_243 : vector<16xi1> to vector<16xi32>
      %add3A_245 = arith.addi %convert_element_type3A, %convert_element_type3A_226 : vector<16xi32>
      %add3A_246 = arith.addi %convert_element_type3A_235, %convert_element_type3A_244 : vector<16xi32>
      %add3A_247 = arith.addi %add3A_245, %add3A_246 : vector<16xi32>
      %add3A_248 = arith.addi %while3A_213, %add3A_247 : vector<16xi32>
      scf.yield %add3A_248 : vector<16xi32>
    }
    %while3A_147 = arith.constant 1 : i32
    %while3A_148 = scf.for %while3A_212 = %while3A_144 to %while3A_140 step %while3A_147 iter_args(%while3A_213 = %while3A_146) -> (vector<16xi32>)  : i32 {
      %mul3A_214 = arith.constant 64 : i32
      %mul3A_215 = arith.muli %while3A_212, %mul3A_214 : i32
      %get3A = arith.index_cast %mul3A_215 : i32 to index
      %get3A_216 = tpu.vector_load %arg7[%get3A] {strides = array<i32>} : memref<8256xi32, #tpu.memory_space<vmem>>, vector<16xi32>,
      %gt3A = vector.broadcast %scan3A_136#0 : i32 to vector<16xi32>
      %gt3A_217 = arith.cmpi sgt, %get3A_216, %gt3A : vector<16xi32>
      %convert_element_type3A = arith.extui %gt3A_217 : vector<16xi1> to vector<16xi32>
      %mul3A_218 = arith.constant 64 : i32
      %mul3A_219 = arith.muli %while3A_212, %mul3A_218 : i32
      %add3A_220 = arith.constant 16 : i32
      %add3A_221 = arith.addi %mul3A_219, %add3A_220 : i32
      %get3A_222 = arith.index_cast %add3A_221 : i32 to index
      %get3A_223 = tpu.vector_load %arg7[%get3A_222] {strides = array<i32>} : memref<8256xi32, #tpu.memory_space<vmem>>, vector<16xi32>,
      %gt3A_224 = vector.broadcast %scan3A_136#0 : i32 to vector<16xi32>
      %gt3A_225 = arith.cmpi sgt, %get3A_223, %gt3A_224 : vector<16xi32>
      %convert_element_type3A_226 = arith.extui %gt3A_225 : vector<16xi1> to vector<16xi32>
      %mul3A_227 = arith.constant 64 : i32
      %mul3A_228 = arith.muli %while3A_212, %mul3A_227 : i32
      %add3A_229 = arith.constant 32 : i32
      %add3A_230 = arith.addi %mul3A_228, %add3A_229 : i32
      %get3A_231 = arith.index_cast %add3A_230 : i32 to index
      %get3A_232 = tpu.vector_load %arg7[%get3A_231] {strides = array<i32>} : memref<8256xi32, #tpu.memory_space<vmem>>, vector<16xi32>,
      %gt3A_233 = vector.broadcast %scan3A_136#0 : i32 to vector<16xi32>
      %gt3A_234 = arith.cmpi sgt, %get3A_232, %gt3A_233 : vector<16xi32>
      %convert_element_type3A_235 = arith.extui %gt3A_234 : vector<16xi1> to vector<16xi32>
      %mul3A_236 = arith.constant 64 : i32
      %mul3A_237 = arith.muli %while3A_212, %mul3A_236 : i32
      %add3A_238 = arith.constant 48 : i32
      %add3A_239 = arith.addi %mul3A_237, %add3A_238 : i32
      %get3A_240 = arith.index_cast %add3A_239 : i32 to index
      %get3A_241 = tpu.vector_load %arg7[%get3A_240] {strides = array<i32>} : memref<8256xi32, #tpu.memory_space<vmem>>, vector<16xi32>,
      %gt3A_242 = vector.broadcast %scan3A_136#0 : i32 to vector<16xi32>
      %gt3A_243 = arith.cmpi sgt, %get3A_241, %gt3A_242 : vector<16xi32>
      %convert_element_type3A_244 = arith.extui %gt3A_243 : vector<16xi1> to vector<16xi32>
      %add3A_245 = arith.addi %convert_element_type3A, %convert_element_type3A_226 : vector<16xi32>
      %add3A_246 = arith.addi %convert_element_type3A_235, %convert_element_type3A_244 : vector<16xi32>
      %add3A_247 = arith.addi %add3A_245, %add3A_246 : vector<16xi32>
      %add3A_248 = arith.addi %while3A_213, %add3A_247 : vector<16xi32>
      scf.yield %add3A_248 : vector<16xi32>
    }
    %reduce_sum3A = arith.constant true
    %reduce_sum3A_149 = vector.broadcast %reduce_sum3A : i1 to vector<16xi1>
    %reduce_sum3A_150 = tpu.scan <sum>, %while3A_148 masked %reduce_sum3A_149 : vector<16xi32>, vector<16xi1> -> vector<16xi32>
    %reduce_sum3A_151 = vector.extract %reduce_sum3A_150[15] : i32 from vector<16xi32>
    %sub3A_152 = arith.constant 2048 : i32
    %sub3A_153 = arith.subi %sub3A_152, %reduce_sum3A_151 : i32
    %while3A_154 = arith.constant 0 : i32
    %while3A_155 = arith.constant 0 : i32
    %while3A_156 = arith.constant 0 : i32
    %while3A_157 = arith.subi %select_n3A_102, %while3A_154 : i32
    %while3A_158 = arith.addi %while3A_154, %while3A_157 : i32
    %while3A_159 = arith.constant 1 : i32
    %while3A_160 = arith.divsi %while3A_157, %while3A_159 : i32
    %while3A_161 = arith.muli %while3A_160, %while3A_159 : i32
    %while3A_162 = arith.addi %while3A_154, %while3A_161 : i32
    %while3A_163 = arith.constant 1 : i32
    %while3A_164:2 = scf.for %while3A_212 = %while3A_154 to %while3A_162 step %while3A_163 iter_args(%while3A_213 = %while3A_155, %while3A_214 = %while3A_156) -> (i32, i32)  : i32 {
      %mul3A_215 = arith.constant 16 : i32
      %mul3A_216 = arith.muli %while3A_212, %mul3A_215 : i32
      %get3A = arith.index_cast %mul3A_216 : i32 to index
      %get3A_217 = tpu.vector_load %arg7[%get3A] {strides = array<i32>} : memref<8256xi32, #tpu.memory_space<vmem>>, vector<16xi32>,
      %mul3A_218 = arith.constant 16 : i32
      %mul3A_219 = arith.muli %while3A_212, %mul3A_218 : i32
      %get3A_220 = arith.index_cast %mul3A_219 : i32 to index
      %get3A_221 = tpu.vector_load %arg8[%get3A_220] {strides = array<i32>} : memref<8208xi32, #tpu.memory_space<vmem>>, vector<16xi32>,
      %mul3A_222 = arith.constant 16 : i32
      %mul3A_223 = arith.muli %while3A_212, %mul3A_222 : i32
      %iota3A_224 = tpu.iota {dimensions = array<i32: 0>} : vector<16xi32>
      %add3A_225 = vector.broadcast %mul3A_223 : i32 to vector<16xi32>
      %add3A_226 = arith.addi %add3A_225, %iota3A_224 : vector<16xi32>
      %lt3A = vector.broadcast %scan3A_61 : i32 to vector<16xi32>
      %lt3A_227 = arith.cmpi slt, %add3A_226, %lt3A : vector<16xi32>
      %gt3A = vector.broadcast %scan3A_136#0 : i32 to vector<16xi32>
      %gt3A_228 = arith.cmpi sgt, %get3A_217, %gt3A : vector<16xi32>
      %and3A_229 = arith.andi %gt3A_228, %lt3A_227 : vector<16xi1>
      %eq3A = vector.broadcast %scan3A_136#0 : i32 to vector<16xi32>
      %eq3A_230 = arith.cmpi eq, %get3A_217, %eq3A : vector<16xi32>
      %and3A_231 = arith.andi %eq3A_230, %lt3A_227 : vector<16xi1>
      %convert_element_type3A = arith.extui %and3A_231 : vector<16xi1> to vector<16xi32>
      %broadcast_in_dim3A_232 = arith.constant true
      %broadcast_in_dim3A_233 = vector.broadcast %broadcast_in_dim3A_232 : i1 to vector<16xi1>
      %masked_cumsum3A = tpu.scan <sum>, %convert_element_type3A masked %broadcast_in_dim3A_233 : vector<16xi32>, vector<16xi1> -> vector<16xi32>
      %add3A_234 = vector.broadcast %while3A_214 : i32 to vector<16xi32>
      %add3A_235 = arith.addi %masked_cumsum3A, %add3A_234 : vector<16xi32>
      %le3A = vector.broadcast %sub3A_153 : i32 to vector<16xi32>
      %le3A_236 = arith.cmpi sle, %add3A_235, %le3A : vector<16xi32>
      %and3A_237 = arith.andi %and3A_231, %le3A_236 : vector<16xi1>
      %or3A = arith.ori %and3A_229, %and3A_237 : vector<16xi1>
      %swap3A_238 = arith.index_cast %while3A_213 : i32 to index
      %swap3A_239 = tpu.vector_load %arg9[%swap3A_238] masked %or3A {strides = array<i32>} : memref<2064xi32, #tpu.memory_space<vmem>>, vector<16xi32>, vector<16xi1>
      tpu.vector_store %arg9[%swap3A_238], %get3A_221 masked %or3A {strides = array<i32>} : memref<2064xi32, #tpu.memory_space<vmem>>, vector<16xi32>, vector<16xi1>
      %all_reduce_population_count3A = tpu.all_reduce %or3A {dim = 0 : i64, kind = #tpu.reduction_kind<sum>} : vector<16xi1> -> vector<16xi32>
      %slice3A = vector.extract_strided_slice %all_reduce_population_count3A {offsets = [0], sizes = [1], strides = [1]} : vector<16xi32> to vector<1xi32>
      %squeeze3A = vector.extract %slice3A[0] : i32 from vector<1xi32>
      %add3A_240 = arith.addi %while3A_213, %squeeze3A : i32
      %all_reduce_population_count3A_241 = tpu.all_reduce %and3A_231 {dim = 0 : i64, kind = #tpu.reduction_kind<sum>} : vector<16xi1> -> vector<16xi32>
      %slice3A_242 = vector.extract_strided_slice %all_reduce_population_count3A_241 {offsets = [0], sizes = [1], strides = [1]} : vector<16xi32> to vector<1xi32>
      %squeeze3A_243 = vector.extract %slice3A_242[0] : i32 from vector<1xi32>
      %add3A_244 = arith.addi %while3A_214, %squeeze3A_243 : i32
      scf.yield %add3A_240, %add3A_244 : i32, i32
    }
    %while3A_165 = arith.constant 1 : i32
    %while3A_166:2 = scf.for %while3A_212 = %while3A_162 to %while3A_158 step %while3A_165 iter_args(%while3A_213 = %while3A_164#0, %while3A_214 = %while3A_164#1) -> (i32, i32)  : i32 {
      %mul3A_215 = arith.constant 16 : i32
      %mul3A_216 = arith.muli %while3A_212, %mul3A_215 : i32
      %get3A = arith.index_cast %mul3A_216 : i32 to index
      %get3A_217 = tpu.vector_load %arg7[%get3A] {strides = array<i32>} : memref<8256xi32, #tpu.memory_space<vmem>>, vector<16xi32>,
      %mul3A_218 = arith.constant 16 : i32
      %mul3A_219 = arith.muli %while3A_212, %mul3A_218 : i32
      %get3A_220 = arith.index_cast %mul3A_219 : i32 to index
      %get3A_221 = tpu.vector_load %arg8[%get3A_220] {strides = array<i32>} : memref<8208xi32, #tpu.memory_space<vmem>>, vector<16xi32>,
      %mul3A_222 = arith.constant 16 : i32
      %mul3A_223 = arith.muli %while3A_212, %mul3A_222 : i32
      %iota3A_224 = tpu.iota {dimensions = array<i32: 0>} : vector<16xi32>
      %add3A_225 = vector.broadcast %mul3A_223 : i32 to vector<16xi32>
      %add3A_226 = arith.addi %add3A_225, %iota3A_224 : vector<16xi32>
      %lt3A = vector.broadcast %scan3A_61 : i32 to vector<16xi32>
      %lt3A_227 = arith.cmpi slt, %add3A_226, %lt3A : vector<16xi32>
      %gt3A = vector.broadcast %scan3A_136#0 : i32 to vector<16xi32>
      %gt3A_228 = arith.cmpi sgt, %get3A_217, %gt3A : vector<16xi32>
      %and3A_229 = arith.andi %gt3A_228, %lt3A_227 : vector<16xi1>
      %eq3A = vector.broadcast %scan3A_136#0 : i32 to vector<16xi32>
      %eq3A_230 = arith.cmpi eq, %get3A_217, %eq3A : vector<16xi32>
      %and3A_231 = arith.andi %eq3A_230, %lt3A_227 : vector<16xi1>
      %convert_element_type3A = arith.extui %and3A_231 : vector<16xi1> to vector<16xi32>
      %broadcast_in_dim3A_232 = arith.constant true
      %broadcast_in_dim3A_233 = vector.broadcast %broadcast_in_dim3A_232 : i1 to vector<16xi1>
      %masked_cumsum3A = tpu.scan <sum>, %convert_element_type3A masked %broadcast_in_dim3A_233 : vector<16xi32>, vector<16xi1> -> vector<16xi32>
      %add3A_234 = vector.broadcast %while3A_214 : i32 to vector<16xi32>
      %add3A_235 = arith.addi %masked_cumsum3A, %add3A_234 : vector<16xi32>
      %le3A = vector.broadcast %sub3A_153 : i32 to vector<16xi32>
      %le3A_236 = arith.cmpi sle, %add3A_235, %le3A : vector<16xi32>
      %and3A_237 = arith.andi %and3A_231, %le3A_236 : vector<16xi1>
      %or3A = arith.ori %and3A_229, %and3A_237 : vector<16xi1>
      %swap3A_238 = arith.index_cast %while3A_213 : i32 to index
      %swap3A_239 = tpu.vector_load %arg9[%swap3A_238] masked %or3A {strides = array<i32>} : memref<2064xi32, #tpu.memory_space<vmem>>, vector<16xi32>, vector<16xi1>
      tpu.vector_store %arg9[%swap3A_238], %get3A_221 masked %or3A {strides = array<i32>} : memref<2064xi32, #tpu.memory_space<vmem>>, vector<16xi32>, vector<16xi1>
      %all_reduce_population_count3A = tpu.all_reduce %or3A {dim = 0 : i64, kind = #tpu.reduction_kind<sum>} : vector<16xi1> -> vector<16xi32>
      %slice3A = vector.extract_strided_slice %all_reduce_population_count3A {offsets = [0], sizes = [1], strides = [1]} : vector<16xi32> to vector<1xi32>
      %squeeze3A = vector.extract %slice3A[0] : i32 from vector<1xi32>
      %add3A_240 = arith.addi %while3A_213, %squeeze3A : i32
      %all_reduce_population_count3A_241 = tpu.all_reduce %and3A_231 {dim = 0 : i64, kind = #tpu.reduction_kind<sum>} : vector<16xi1> -> vector<16xi32>
      %slice3A_242 = vector.extract_strided_slice %all_reduce_population_count3A_241 {offsets = [0], sizes = [1], strides = [1]} : vector<16xi32> to vector<1xi32>
      %squeeze3A_243 = vector.extract %slice3A_242[0] : i32 from vector<1xi32>
      %add3A_244 = arith.addi %while3A_214, %squeeze3A_243 : i32
      scf.yield %add3A_240, %add3A_244 : i32, i32
    }
    %mul3A_167 = arith.constant 4 : i32
    %mul3A_168 = arith.muli %arg0, %mul3A_167 : i32
    %scan3A_169 = arith.constant 0 : i32
    %scan3A_170 = arith.constant 0 : i32
    %scan3A_171 = arith.constant 128 : i32
    %scan3A_172 = arith.addi %scan3A_170, %scan3A_171 : i32
    %scan3A_173 = arith.constant 1 : i32
    scf.for %scan3A_212 = %scan3A_170 to %scan3A_172 step %scan3A_173  : i32 {
      %mul3A_213 = arith.constant 16 : i32
      %mul3A_214 = arith.muli %scan3A_212, %mul3A_213 : i32
      %get3A = arith.index_cast %mul3A_214 : i32 to index
      %get3A_215 = tpu.vector_load %arg9[%get3A] {strides = array<i32>} : memref<2064xi32, #tpu.memory_space<vmem>>, vector<16xi32>,
      %shift_right_arithmetic3A_216 = arith.constant 7 : i32
      %shift_right_arithmetic3A_217 = vector.broadcast %shift_right_arithmetic3A_216 : i32 to vector<16xi32>
      %shift_right_arithmetic3A_218 = arith.shrsi %get3A_215, %shift_right_arithmetic3A_217 : vector<16xi32>
      %shift_left3A_219 = arith.constant 10 : i32
      %shift_left3A_220 = vector.broadcast %shift_left3A_219 : i32 to vector<16xi32>
      %shift_left3A_221 = arith.shli %shift_right_arithmetic3A_218, %shift_left3A_220 : vector<16xi32>
      %and3A_222 = arith.constant 127 : i32
      %and3A_223 = vector.broadcast %and3A_222 : i32 to vector<16xi32>
      %and3A_224 = arith.andi %get3A_215, %and3A_223 : vector<16xi32>
      %add3A_225 = arith.addi %shift_left3A_221, %and3A_224 : vector<16xi32>
      %add3A_226 = arith.constant 0 : i32
      %add3A_227 = vector.broadcast %add3A_226 : i32 to vector<16xi32>
      %add3A_228 = arith.addi %add3A_225, %add3A_227 : vector<16xi32>
      %mul3A_229 = arith.constant 16 : i32
      %mul3A_230 = arith.muli %scan3A_212, %mul3A_229 : i32
      %add3A_231 = arith.constant 0 : i32
      %add3A_232 = arith.addi %add3A_231, %mul3A_230 : i32
      %swap3A_233 = arith.index_cast %add3A_232 : i32 to index
      %swap3A_234 = tpu.vector_load %arg10[%swap3A_233] {strides = array<i32>} : memref<16400xi32, #tpu.memory_space<vmem>>, vector<16xi32>,
      tpu.vector_store %arg10[%swap3A_233], %add3A_228 {strides = array<i32>} : memref<16400xi32, #tpu.memory_space<vmem>>, vector<16xi32>,
      %add3A_235 = arith.constant 128 : i32
      %add3A_236 = vector.broadcast %add3A_235 : i32 to vector<16xi32>
      %add3A_237 = arith.addi %add3A_225, %add3A_236 : vector<16xi32>
      %mul3A_238 = arith.constant 16 : i32
      %mul3A_239 = arith.muli %scan3A_212, %mul3A_238 : i32
      %add3A_240 = arith.constant 2048 : i32
      %add3A_241 = arith.addi %add3A_240, %mul3A_239 : i32
      %swap3A_242 = arith.index_cast %add3A_241 : i32 to index
      %swap3A_243 = tpu.vector_load %arg10[%swap3A_242] {strides = array<i32>} : memref<16400xi32, #tpu.memory_space<vmem>>, vector<16xi32>,
      tpu.vector_store %arg10[%swap3A_242], %add3A_237 {strides = array<i32>} : memref<16400xi32, #tpu.memory_space<vmem>>, vector<16xi32>,
      %add3A_244 = arith.constant 256 : i32
      %add3A_245 = vector.broadcast %add3A_244 : i32 to vector<16xi32>
      %add3A_246 = arith.addi %add3A_225, %add3A_245 : vector<16xi32>
      %mul3A_247 = arith.constant 16 : i32
      %mul3A_248 = arith.muli %scan3A_212, %mul3A_247 : i32
      %add3A_249 = arith.constant 4096 : i32
      %add3A_250 = arith.addi %add3A_249, %mul3A_248 : i32
      %swap3A_251 = arith.index_cast %add3A_250 : i32 to index
      %swap3A_252 = tpu.vector_load %arg10[%swap3A_251] {strides = array<i32>} : memref<16400xi32, #tpu.memory_space<vmem>>, vector<16xi32>,
      tpu.vector_store %arg10[%swap3A_251], %add3A_246 {strides = array<i32>} : memref<16400xi32, #tpu.memory_space<vmem>>, vector<16xi32>,
      %add3A_253 = arith.constant 384 : i32
      %add3A_254 = vector.broadcast %add3A_253 : i32 to vector<16xi32>
      %add3A_255 = arith.addi %add3A_225, %add3A_254 : vector<16xi32>
      %mul3A_256 = arith.constant 16 : i32
      %mul3A_257 = arith.muli %scan3A_212, %mul3A_256 : i32
      %add3A_258 = arith.constant 6144 : i32
      %add3A_259 = arith.addi %add3A_258, %mul3A_257 : i32
      %swap3A_260 = arith.index_cast %add3A_259 : i32 to index
      %swap3A_261 = tpu.vector_load %arg10[%swap3A_260] {strides = array<i32>} : memref<16400xi32, #tpu.memory_space<vmem>>, vector<16xi32>,
      tpu.vector_store %arg10[%swap3A_260], %add3A_255 {strides = array<i32>} : memref<16400xi32, #tpu.memory_space<vmem>>, vector<16xi32>,
      %add3A_262 = arith.constant 512 : i32
      %add3A_263 = vector.broadcast %add3A_262 : i32 to vector<16xi32>
      %add3A_264 = arith.addi %add3A_225, %add3A_263 : vector<16xi32>
      %mul3A_265 = arith.constant 16 : i32
      %mul3A_266 = arith.muli %scan3A_212, %mul3A_265 : i32
      %add3A_267 = arith.constant 8192 : i32
      %add3A_268 = arith.addi %add3A_267, %mul3A_266 : i32
      %swap3A_269 = arith.index_cast %add3A_268 : i32 to index
      %swap3A_270 = tpu.vector_load %arg10[%swap3A_269] {strides = array<i32>} : memref<16400xi32, #tpu.memory_space<vmem>>, vector<16xi32>,
      tpu.vector_store %arg10[%swap3A_269], %add3A_264 {strides = array<i32>} : memref<16400xi32, #tpu.memory_space<vmem>>, vector<16xi32>,
      %add3A_271 = arith.constant 640 : i32
      %add3A_272 = vector.broadcast %add3A_271 : i32 to vector<16xi32>
      %add3A_273 = arith.addi %add3A_225, %add3A_272 : vector<16xi32>
      %mul3A_274 = arith.constant 16 : i32
      %mul3A_275 = arith.muli %scan3A_212, %mul3A_274 : i32
      %add3A_276 = arith.constant 10240 : i32
      %add3A_277 = arith.addi %add3A_276, %mul3A_275 : i32
      %swap3A_278 = arith.index_cast %add3A_277 : i32 to index
      %swap3A_279 = tpu.vector_load %arg10[%swap3A_278] {strides = array<i32>} : memref<16400xi32, #tpu.memory_space<vmem>>, vector<16xi32>,
      tpu.vector_store %arg10[%swap3A_278], %add3A_273 {strides = array<i32>} : memref<16400xi32, #tpu.memory_space<vmem>>, vector<16xi32>,
      %add3A_280 = arith.constant 768 : i32
      %add3A_281 = vector.broadcast %add3A_280 : i32 to vector<16xi32>
      %add3A_282 = arith.addi %add3A_225, %add3A_281 : vector<16xi32>
      %mul3A_283 = arith.constant 16 : i32
      %mul3A_284 = arith.muli %scan3A_212, %mul3A_283 : i32
      %add3A_285 = arith.constant 12288 : i32
      %add3A_286 = arith.addi %add3A_285, %mul3A_284 : i32
      %swap3A_287 = arith.index_cast %add3A_286 : i32 to index
      %swap3A_288 = tpu.vector_load %arg10[%swap3A_287] {strides = array<i32>} : memref<16400xi32, #tpu.memory_space<vmem>>, vector<16xi32>,
      tpu.vector_store %arg10[%swap3A_287], %add3A_282 {strides = array<i32>} : memref<16400xi32, #tpu.memory_space<vmem>>, vector<16xi32>,
      %add3A_289 = arith.constant 896 : i32
      %add3A_290 = vector.broadcast %add3A_289 : i32 to vector<16xi32>
      %add3A_291 = arith.addi %add3A_225, %add3A_290 : vector<16xi32>
      %mul3A_292 = arith.constant 16 : i32
      %mul3A_293 = arith.muli %scan3A_212, %mul3A_292 : i32
      %add3A_294 = arith.constant 14336 : i32
      %add3A_295 = arith.addi %add3A_294, %mul3A_293 : i32
      %swap3A_296 = arith.index_cast %add3A_295 : i32 to index
      %swap3A_297 = tpu.vector_load %arg10[%swap3A_296] {strides = array<i32>} : memref<16400xi32, #tpu.memory_space<vmem>>, vector<16xi32>,
      tpu.vector_store %arg10[%swap3A_296], %add3A_291 {strides = array<i32>} : memref<16400xi32, #tpu.memory_space<vmem>>, vector<16xi32>,
    }
    %scan3A_174 = arith.constant 128 : i32
    %mul3A_175 = arith.constant 2097152 : i32
    %mul3A_176 = arith.muli %arg1, %mul3A_175 : i32
    %add3A_177 = arith.constant 0 : i32
    %add3A_178 = arith.addi %mul3A_168, %add3A_177 : i32
    %mul3A_179 = arith.constant 262144 : i32
    %mul3A_180 = arith.muli %add3A_178, %mul3A_179 : i32
    %add3A_181 = arith.addi %mul3A_176, %mul3A_180 : i32
    %dma_start3A_182 = arith.constant 0 : i32
    %dma_start3A_183 = arith.constant 0 : i32
    %dma_start3A_184 = tpu.memref_slice %arg11[%dma_start3A_182, %dma_start3A_183] : memref<2x16384xf32, #tpu.memory_space<vmem>> -> memref<1x16384xf32, #tpu.memory_space<vmem>>
    %dma_start3A_185 = tpu.memref_squeeze %dma_start3A_184 : memref<1x16384xf32, #tpu.memory_space<vmem>> -> memref<16384xf32, #tpu.memory_space<vmem>>
    %dma_start3A_186 = arith.constant 0 : i32
    %dma_start3A_187 = tpu.memref_slice %arg10[%dma_start3A_186] : memref<16400xi32, #tpu.memory_space<vmem>> -> memref<16384xi32, #tpu.memory_space<vmem>>
    %dma_start3A_188 = tpu.memref_slice %arg2[%add3A_181] : memref<33554432xf32, #tpu.memory_space<hbm>> -> memref<262144xf32, #tpu.memory_space<hbm>>
    %dma_start3A_189 = arith.constant 0 : i32
    %dma_start3A_190 = tpu.memref_slice %dma_start3A_188[%dma_start3A_189] : memref<262144xf32, #tpu.memory_space<hbm>> -> memref<262144xf32, #tpu.memory_space<hbm>>
    tpu.enqueue_indirect_dma source(%dma_start3A_190 : memref<262144xf32, #tpu.memory_space<hbm>>) target(%dma_start3A_185 : memref<16384xf32, #tpu.memory_space<vmem>>) offsets(%dma_start3A_187 : memref<16384xi32, #tpu.memory_space<vmem>>) semaphore(%arg13 : memref<!tpu.dma_semaphore, #tpu.memory_space<semaphore_mem>>)
    %scan3A_191 = arith.constant 0 : i32
    %scan3A_192 = arith.constant 0 : i32
    %scan3A_193 = arith.constant 4 : i32
    %scan3A_194 = arith.addi %scan3A_192, %scan3A_193 : i32
    %scan3A_195 = arith.constant 1 : i32
    scf.for %scan3A_212 = %scan3A_192 to %scan3A_194 step %scan3A_195  : i32 {
      %ge3A = arith.constant 1 : i32
      %ge3A_213 = arith.cmpi sge, %scan3A_212, %ge3A : i32
      %convert_element_type3A = arith.extui %ge3A_213 : i1 to i32
      %cond3A = arith.constant 0 : i32
      %cond3A_214 = arith.cmpi ne, %convert_element_type3A, %cond3A : i32
      scf.if %cond3A_214 {
        %sub3A_279 = arith.constant 1 : i32
        %sub3A_280 = arith.subi %scan3A_212, %sub3A_279 : i32
        %jit3A_281 = arith.constant 2 : i32
        %eq3A_282 = arith.constant 0 : i32
        %eq3A_283 = arith.cmpi eq, %jit3A_281, %eq3A_282 : i32
        %jit3A_284 = arith.constant 1 : i32
        %select_n3A_285 = arith.select %eq3A_283, %jit3A_284, %jit3A_281 : i32
        %rem3A_286 = arith.remsi %sub3A_280, %select_n3A_285 : i32
        %ne3A_287 = arith.constant 0 : i32
        %ne3A_288 = arith.cmpi ne, %rem3A_286, %ne3A_287 : i32
        %lt3A_289 = arith.constant 0 : i32
        %lt3A_290 = arith.cmpi slt, %rem3A_286, %lt3A_289 : i32
        %lt3A_291 = arith.constant 0 : i32
        %lt3A_292 = arith.cmpi slt, %select_n3A_285, %lt3A_291 : i32
        %ne3A_293 = arith.xori %lt3A_290, %lt3A_292 : i1
        %and3A_294 = arith.andi %ne3A_293, %ne3A_288 : i1
        %add3A_295 = arith.addi %rem3A_286, %select_n3A_285 : i32
        %select_n3A_296 = arith.select %and3A_294, %add3A_295, %rem3A_286 : i32
        %sub3A_297 = arith.constant 1 : i32
        %sub3A_298 = arith.subi %scan3A_212, %sub3A_297 : i32
        %add3A_299 = arith.addi %mul3A_168, %sub3A_298 : i32
        %mul3A_300 = arith.constant 16384 : i32
        %mul3A_301 = arith.muli %add3A_299, %mul3A_300 : i32
        %dma_wait3A_302 = arith.constant 0 : i32
        %dma_wait3A_303 = tpu.memref_slice %arg11[%select_n3A_296, %dma_wait3A_302] : memref<2x16384xf32, #tpu.memory_space<vmem>> -> memref<1x16384xf32, #tpu.memory_space<vmem>>
        %dma_wait3A_304 = tpu.memref_squeeze %dma_wait3A_303 : memref<1x16384xf32, #tpu.memory_space<vmem>> -> memref<16384xf32, #tpu.memory_space<vmem>>
        %dma_wait3A_305 = tpu.memref_slice %arg4[%arg1, %mul3A_301] : memref<16x131072xf32, #tpu.memory_space<hbm>> -> memref<1x16384xf32, #tpu.memory_space<hbm>>
        %dma_wait3A_306 = tpu.memref_squeeze %dma_wait3A_305 : memref<1x16384xf32, #tpu.memory_space<hbm>> -> memref<16384xf32, #tpu.memory_space<hbm>>
        %dma_wait3A_307 = tpu.memref_slice %arg4[%arg1, %mul3A_301] : memref<16x131072xf32, #tpu.memory_space<hbm>> -> memref<1x16384xf32, #tpu.memory_space<hbm>>
        %dma_wait3A_308 = tpu.memref_squeeze %dma_wait3A_307 : memref<1x16384xf32, #tpu.memory_space<hbm>> -> memref<16384xf32, #tpu.memory_space<hbm>>
        %dma_wait3A_309 = arith.constant 0 : i32
        %dma_wait3A_310 = tpu.memref_slice %arg11[%select_n3A_296, %dma_wait3A_309] : memref<2x16384xf32, #tpu.memory_space<vmem>> -> memref<1x16384xf32, #tpu.memory_space<vmem>>
        %dma_wait3A_311 = tpu.memref_squeeze %dma_wait3A_310 : memref<1x16384xf32, #tpu.memory_space<vmem>> -> memref<16384xf32, #tpu.memory_space<vmem>>
        tpu.wait_dma2 semaphore(%arg14 : memref<!tpu.dma_semaphore, #tpu.memory_space<semaphore_mem>>) src(%dma_wait3A_311 : memref<16384xf32, #tpu.memory_space<vmem>>) dst(%dma_wait3A_308 : memref<16384xf32, #tpu.memory_space<hbm>>)
      } else {
      }
      %add3A_215 = arith.constant 1 : i32
      %add3A_216 = arith.addi %scan3A_212, %add3A_215 : i32
      %lt3A = arith.constant 4 : i32
      %lt3A_217 = arith.cmpi slt, %add3A_216, %lt3A : i32
      %convert_element_type3A_218 = arith.extui %lt3A_217 : i1 to i32
      %cond3A_219 = arith.constant 0 : i32
      %cond3A_220 = arith.cmpi ne, %convert_element_type3A_218, %cond3A_219 : i32
      scf.if %cond3A_220 {
        %add3A_279 = arith.constant 1 : i32
        %add3A_280 = arith.addi %scan3A_212, %add3A_279 : i32
        %mul3A_281 = arith.constant 2097152 : i32
        %mul3A_282 = arith.muli %arg1, %mul3A_281 : i32
        %add3A_283 = arith.addi %mul3A_168, %add3A_280 : i32
        %mul3A_284 = arith.constant 262144 : i32
        %mul3A_285 = arith.muli %add3A_283, %mul3A_284 : i32
        %add3A_286 = arith.addi %mul3A_282, %mul3A_285 : i32
        %add3A_287 = arith.constant 1 : i32
        %add3A_288 = arith.addi %scan3A_212, %add3A_287 : i32
        %jit3A_289 = arith.constant 2 : i32
        %eq3A_290 = arith.constant 0 : i32
        %eq3A_291 = arith.cmpi eq, %jit3A_289, %eq3A_290 : i32
        %jit3A_292 = arith.constant 1 : i32
        %select_n3A_293 = arith.select %eq3A_291, %jit3A_292, %jit3A_289 : i32
        %rem3A_294 = arith.remsi %add3A_288, %select_n3A_293 : i32
        %ne3A_295 = arith.constant 0 : i32
        %ne3A_296 = arith.cmpi ne, %rem3A_294, %ne3A_295 : i32
        %lt3A_297 = arith.constant 0 : i32
        %lt3A_298 = arith.cmpi slt, %rem3A_294, %lt3A_297 : i32
        %lt3A_299 = arith.constant 0 : i32
        %lt3A_300 = arith.cmpi slt, %select_n3A_293, %lt3A_299 : i32
        %ne3A_301 = arith.xori %lt3A_298, %lt3A_300 : i1
        %and3A_302 = arith.andi %ne3A_301, %ne3A_296 : i1
        %add3A_303 = arith.addi %rem3A_294, %select_n3A_293 : i32
        %select_n3A_304 = arith.select %and3A_302, %add3A_303, %rem3A_294 : i32
        %dma_start3A_305 = arith.constant 0 : i32
        %dma_start3A_306 = tpu.memref_slice %arg11[%select_n3A_304, %dma_start3A_305] : memref<2x16384xf32, #tpu.memory_space<vmem>> -> memref<1x16384xf32, #tpu.memory_space<vmem>>
        %dma_start3A_307 = tpu.memref_squeeze %dma_start3A_306 : memref<1x16384xf32, #tpu.memory_space<vmem>> -> memref<16384xf32, #tpu.memory_space<vmem>>
        %dma_start3A_308 = arith.constant 0 : i32
        %dma_start3A_309 = tpu.memref_slice %arg10[%dma_start3A_308] : memref<16400xi32, #tpu.memory_space<vmem>> -> memref<16384xi32, #tpu.memory_space<vmem>>
        %dma_start3A_310 = tpu.memref_slice %arg2[%add3A_286] : memref<33554432xf32, #tpu.memory_space<hbm>> -> memref<262144xf32, #tpu.memory_space<hbm>>
        %dma_start3A_311 = arith.constant 0 : i32
        %dma_start3A_312 = tpu.memref_slice %dma_start3A_310[%dma_start3A_311] : memref<262144xf32, #tpu.memory_space<hbm>> -> memref<262144xf32, #tpu.memory_space<hbm>>
        tpu.enqueue_indirect_dma source(%dma_start3A_312 : memref<262144xf32, #tpu.memory_space<hbm>>) target(%dma_start3A_307 : memref<16384xf32, #tpu.memory_space<vmem>>) offsets(%dma_start3A_309 : memref<16384xi32, #tpu.memory_space<vmem>>) semaphore(%arg13 : memref<!tpu.dma_semaphore, #tpu.memory_space<semaphore_mem>>)
      } else {
      }
      %mul3A_221 = arith.constant 2097152 : i32
      %mul3A_222 = arith.muli %arg1, %mul3A_221 : i32
      %add3A_223 = arith.addi %mul3A_168, %scan3A_212 : i32
      %mul3A_224 = arith.constant 262144 : i32
      %mul3A_225 = arith.muli %add3A_223, %mul3A_224 : i32
      %add3A_226 = arith.addi %mul3A_222, %mul3A_225 : i32
      %jit3A_227 = arith.constant 2 : i32
      %eq3A = arith.constant 0 : i32
      %eq3A_228 = arith.cmpi eq, %jit3A_227, %eq3A : i32
      %jit3A_229 = arith.constant 1 : i32
      %select_n3A_230 = arith.select %eq3A_228, %jit3A_229, %jit3A_227 : i32
      %rem3A_231 = arith.remsi %scan3A_212, %select_n3A_230 : i32
      %ne3A_232 = arith.constant 0 : i32
      %ne3A_233 = arith.cmpi ne, %rem3A_231, %ne3A_232 : i32
      %lt3A_234 = arith.constant 0 : i32
      %lt3A_235 = arith.cmpi slt, %rem3A_231, %lt3A_234 : i32
      %lt3A_236 = arith.constant 0 : i32
      %lt3A_237 = arith.cmpi slt, %select_n3A_230, %lt3A_236 : i32
      %ne3A_238 = arith.xori %lt3A_235, %lt3A_237 : i1
      %and3A_239 = arith.andi %ne3A_238, %ne3A_233 : i1
      %add3A_240 = arith.addi %rem3A_231, %select_n3A_230 : i32
      %select_n3A_241 = arith.select %and3A_239, %add3A_240, %rem3A_231 : i32
      %dma_wait3A_242 = arith.constant 0 : i32
      %dma_wait3A_243 = tpu.memref_slice %arg11[%select_n3A_241, %dma_wait3A_242] : memref<2x16384xf32, #tpu.memory_space<vmem>> -> memref<1x16384xf32, #tpu.memory_space<vmem>>
      %dma_wait3A_244 = tpu.memref_squeeze %dma_wait3A_243 : memref<1x16384xf32, #tpu.memory_space<vmem>> -> memref<16384xf32, #tpu.memory_space<vmem>>
      %dma_wait3A_245 = arith.constant 0 : i32
      %dma_wait3A_246 = tpu.memref_slice %arg10[%dma_wait3A_245] : memref<16400xi32, #tpu.memory_space<vmem>> -> memref<16384xi32, #tpu.memory_space<vmem>>
      %dma_wait3A_247 = tpu.memref_slice %arg2[%add3A_226] : memref<33554432xf32, #tpu.memory_space<hbm>> -> memref<262144xf32, #tpu.memory_space<hbm>>
      %dma_wait3A_248 = arith.constant 0 : i32
      %dma_wait3A_249 = tpu.memref_slice %dma_wait3A_247[%dma_wait3A_248] : memref<262144xf32, #tpu.memory_space<hbm>> -> memref<262144xf32, #tpu.memory_space<hbm>>
      tpu.wait_indirect_dma semaphore(%arg13 : memref<!tpu.dma_semaphore, #tpu.memory_space<semaphore_mem>>) src(%dma_wait3A_249 : memref<262144xf32, #tpu.memory_space<hbm>>) dst(%dma_wait3A_244 : memref<16384xf32, #tpu.memory_space<vmem>>)
      %jit3A_250 = arith.constant 2 : i32
      %eq3A_251 = arith.constant 0 : i32
      %eq3A_252 = arith.cmpi eq, %jit3A_250, %eq3A_251 : i32
      %jit3A_253 = arith.constant 1 : i32
      %select_n3A_254 = arith.select %eq3A_252, %jit3A_253, %jit3A_250 : i32
      %rem3A_255 = arith.remsi %scan3A_212, %select_n3A_254 : i32
      %ne3A_256 = arith.constant 0 : i32
      %ne3A_257 = arith.cmpi ne, %rem3A_255, %ne3A_256 : i32
      %lt3A_258 = arith.constant 0 : i32
      %lt3A_259 = arith.cmpi slt, %rem3A_255, %lt3A_258 : i32
      %lt3A_260 = arith.constant 0 : i32
      %lt3A_261 = arith.cmpi slt, %select_n3A_254, %lt3A_260 : i32
      %ne3A_262 = arith.xori %lt3A_259, %lt3A_261 : i1
      %and3A_263 = arith.andi %ne3A_262, %ne3A_257 : i1
      %add3A_264 = arith.addi %rem3A_255, %select_n3A_254 : i32
      %select_n3A_265 = arith.select %and3A_263, %add3A_264, %rem3A_255 : i32
      %add3A_266 = arith.addi %mul3A_168, %scan3A_212 : i32
      %mul3A_267 = arith.constant 16384 : i32
      %mul3A_268 = arith.muli %add3A_266, %mul3A_267 : i32
      %dma_start3A_269 = arith.constant 0 : i32
      %dma_start3A_270 = tpu.memref_slice %arg11[%select_n3A_265, %dma_start3A_269] : memref<2x16384xf32, #tpu.memory_space<vmem>> -> memref<1x16384xf32, #tpu.memory_space<vmem>>
      %dma_start3A_271 = tpu.memref_squeeze %dma_start3A_270 : memref<1x16384xf32, #tpu.memory_space<vmem>> -> memref<16384xf32, #tpu.memory_space<vmem>>
      %dma_start3A_272 = tpu.memref_slice %arg4[%arg1, %mul3A_268] : memref<16x131072xf32, #tpu.memory_space<hbm>> -> memref<1x16384xf32, #tpu.memory_space<hbm>>
      %dma_start3A_273 = tpu.memref_squeeze %dma_start3A_272 : memref<1x16384xf32, #tpu.memory_space<hbm>> -> memref<16384xf32, #tpu.memory_space<hbm>>
      %dma_start3A_274 = tpu.memref_slice %arg4[%arg1, %mul3A_268] : memref<16x131072xf32, #tpu.memory_space<hbm>> -> memref<1x16384xf32, #tpu.memory_space<hbm>>
      %dma_start3A_275 = tpu.memref_squeeze %dma_start3A_274 : memref<1x16384xf32, #tpu.memory_space<hbm>> -> memref<16384xf32, #tpu.memory_space<hbm>>
      %dma_start3A_276 = arith.constant 0 : i32
      %dma_start3A_277 = tpu.memref_slice %arg11[%select_n3A_265, %dma_start3A_276] : memref<2x16384xf32, #tpu.memory_space<vmem>> -> memref<1x16384xf32, #tpu.memory_space<vmem>>
      %dma_start3A_278 = tpu.memref_squeeze %dma_start3A_277 : memref<1x16384xf32, #tpu.memory_space<vmem>> -> memref<16384xf32, #tpu.memory_space<vmem>>
      tpu.enqueue_dma source(%dma_start3A_278 : memref<16384xf32, #tpu.memory_space<vmem>>) target(%dma_start3A_275 : memref<16384xf32, #tpu.memory_space<hbm>>) target_semaphore(%arg14 : memref<!tpu.dma_semaphore, #tpu.memory_space<semaphore_mem>>)
    }
    %scan3A_196 = arith.constant 4 : i32
    %add3A_197 = arith.constant 3 : i32
    %add3A_198 = arith.addi %mul3A_168, %add3A_197 : i32
    %mul3A_199 = arith.constant 16384 : i32
    %mul3A_200 = arith.muli %add3A_198, %mul3A_199 : i32
    %dma_wait3A_201 = arith.constant 1 : i32
    %dma_wait3A_202 = arith.constant 0 : i32
    %dma_wait3A_203 = tpu.memref_slice %arg11[%dma_wait3A_201, %dma_wait3A_202] : memref<2x16384xf32, #tpu.memory_space<vmem>> -> memref<1x16384xf32, #tpu.memory_space<vmem>>
    %dma_wait3A_204 = tpu.memref_squeeze %dma_wait3A_203 : memref<1x16384xf32, #tpu.memory_space<vmem>> -> memref<16384xf32, #tpu.memory_space<vmem>>
    %dma_wait3A_205 = tpu.memref_slice %arg4[%arg1, %mul3A_200] : memref<16x131072xf32, #tpu.memory_space<hbm>> -> memref<1x16384xf32, #tpu.memory_space<hbm>>
    %dma_wait3A_206 = tpu.memref_squeeze %dma_wait3A_205 : memref<1x16384xf32, #tpu.memory_space<hbm>> -> memref<16384xf32, #tpu.memory_space<hbm>>
    %dma_wait3A_207 = tpu.memref_slice %arg4[%arg1, %mul3A_200] : memref<16x131072xf32, #tpu.memory_space<hbm>> -> memref<1x16384xf32, #tpu.memory_space<hbm>>
    %dma_wait3A_208 = tpu.memref_squeeze %dma_wait3A_207 : memref<1x16384xf32, #tpu.memory_space<hbm>> -> memref<16384xf32, #tpu.memory_space<hbm>>
    %dma_wait3A_209 = arith.constant 0 : i32
    %dma_wait3A_210 = tpu.memref_slice %arg11[%dma_wait3A_201, %dma_wait3A_209] : memref<2x16384xf32, #tpu.memory_space<vmem>> -> memref<1x16384xf32, #tpu.memory_space<vmem>>
    %dma_wait3A_211 = tpu.memref_squeeze %dma_wait3A_210 : memref<1x16384xf32, #tpu.memory_space<vmem>> -> memref<16384xf32, #tpu.memory_space<vmem>>
    tpu.wait_dma2 semaphore(%arg14 : memref<!tpu.dma_semaphore, #tpu.memory_space<semaphore_mem>>) src(%dma_wait3A_211 : memref<16384xf32, #tpu.memory_space<vmem>>) dst(%dma_wait3A_208 : memref<16384xf32, #tpu.memory_space<hbm>>)
    return
  }
}

module attributes {stable_mosaic.version = 14 : i64} {
  func.func @_norms_body(%arg0: i32, %arg1: memref<1x64x32768xf32, #tpu.memory_space<vmem>>, %arg2: memref<1x1x32768xi32, #tpu.memory_space<vmem>>) attributes {dimension_semantics = [#tpu.dimension_semantics<arbitrary>], iteration_bounds = array<i64: 16>, scalar_prefetch = 0 : i64, scratch_operands = 0 : i64, tpu.core_type = #tpu.core_type<tc>, window_params = [{transform_indices = @transform_0, window_bounds = array<i64: 1, 64, 32768>}, {transform_indices = @transform_1, window_bounds = array<i64: 1, 1, 32768>}]} {
    %get3A = arith.constant 0 : index
    %get3A_0 = arith.constant 0 : index
    %get3A_1 = arith.constant 0 : index
    %get3A_2 = vector.load %arg1[%get3A, %get3A_0, %get3A_1] : memref<1x64x32768xf32, #tpu.memory_space<vmem>>, vector<1x64x32768xf32>
    %get3A_3 = vector.shape_cast %get3A_2 : vector<1x64x32768xf32> to vector<64x32768xf32>
    %mul3A = arith.mulf %get3A_3, %get3A_3 : vector<64x32768xf32>
    %reduce_sum3A = arith.constant dense<0.000000e+00> : vector<32768xf32>
    %reduce_sum3A_4 = vector.multi_reduction <add>, %mul3A, %reduce_sum3A [0] : vector<64x32768xf32> to vector<32768xf32>
    %bitcast_convert_type3A = tpu.bitcast %reduce_sum3A_4 : vector<32768xf32> -> vector<32768xi32>
    %swap3A = arith.constant 0 : index
    %swap3A_5 = arith.constant 0 : index
    %swap3A_6 = arith.constant 0 : index
    %swap3A_7 = vector.load %arg2[%swap3A, %swap3A_5, %swap3A_6] : memref<1x1x32768xi32, #tpu.memory_space<vmem>>, vector<1x1x32768xi32>
    %swap3A_8 = vector.shape_cast %swap3A_7 : vector<1x1x32768xi32> to vector<32768xi32>
    %swap3A_9 = vector.shape_cast %bitcast_convert_type3A : vector<32768xi32> to vector<1x1x32768xi32>
    tpu.vector_store %arg2[%swap3A, %swap3A_5, %swap3A_6], %swap3A_9 {strides = array<i32>} : memref<1x1x32768xi32, #tpu.memory_space<vmem>>, vector<1x1x32768xi32>,
    return
  }
  func.func @transform_0(%arg0: i32) -> (i32, i32, i32) {
    %c0_i32 = arith.constant 0 : i32
    %c0_i32_0 = arith.constant 0 : i32
    %c0_i32_1 = arith.constant 0 : i32
    return %arg0, %c0_i32, %c0_i32_0 : i32, i32, i32
  }
  func.func @transform_1(%arg0: i32) -> (i32, i32, i32) {
    %c0_i32 = arith.constant 0 : i32
    %c0_i32_0 = arith.constant 0 : i32
    %c0_i32_1 = arith.constant 0 : i32
    return %arg0, %c0_i32, %c0_i32_0 : i32, i32, i32
  }
}

</mosaic_0001>

<sc_bundles>
// kernel: kernel.4.cloned.1.call-start
scs
__scs_entry_jumppad:
0x0: {  	(pc) =	sbr.rel $0x88, $3  }
0x1: {  	(tag) =	ssettag $0x0;
	lr =	simm.s32 $0x1  }
0x2: {  	[smem:$0x3FA0] =	sst lr;
	_ =	strace $0xD0000000  }
0x3: {  	_ = 	snop  }
0x4: {  	_ = 	snop  }
0x5: {  	_ = 	snop  }
0x6: {  	_ = 	snop  }
0x7: {  	_ = 	snop  }
__scs_overlays_trampoline_lowered:
0x8: {  	[smem:$0x3FAF] =	sst s0  }
0x9: {  	[smem:$0x3FB0] =	sst s1  }
0xa: {  	[smem:$0x3FB1] =	sst s2  }
0xb: {  	[smem:$0x3FB2] =	sst s3  }
0xc: {  	[smem:$0x3FB3] =	sst s4  }
0xd: {  	[smem:$0x3FB4] =	sst s5  }
0xe: {  	[smem:$0x3FB5] =	sst s6  }
0xf: {  	[smem:$0x3FB6] =	sst s7  }
0x10: {  	[smem:$0x3FB7] =	sst s8  }
0x11: {  	[smem:$0x3FB8] =	sst s9;
	s0 =	simm.s32 @!p0 $0x0  }
0x12: {  	s1 =	sld [smem:$0x3F9E];
	s0 =	simm.s32 @p0 $0x1  }
0x13: {  	[smem:$0x3FB9] =	sst s0;
	s0 =	simm.s32 @!p1 $0x0  }
0x14: {  	s2 =	sld [smem:$0x3F9D];
	s0 =	simm.s32 @p1 $0x1  }
0x15: {  	[smem:$0x3FBA] =	sst s0;
	s0 =	simm.s32 @!p2 $0x0  }
0x16: {  	s3 =	sld [smem:$0x3FDB];
	s0 =	simm.s32 @p2 $0x1  }
0x17: {  	s4 =	simm.s32 $0x1BF5;
	[smem:$0x3FBC] =	sst s0  }
0x18: {  	s0 =	sld [smem:$0x3F9F];
	_ =	swait.ge [sflag:s4], $0x0  }
0x19: {  	s7 =	sld [smem:$0x3FA0]  }
0x1a: {  	s8 =	sadd.s32 $0xFFFFE003, lr  }
0x1b: {  	s9 =	sadd.s32 $0xFFFFFEF7, lr;
	s5 =	simm.s32 $0xFFFFFFFF;
	p2 =	slt.u32 s8, $0xFFFFF086  }
0x1c: {  	p1 =	slt.u32 s9, $0xF7A;
	s5 =	simm.s32 @!p2 $0x0  }
0x1d: {  	s5 =	simm.s32 @p1 $0x1;
	p0 =	seq.s32 s7, s2  }
0x1e: {  	s7 =	smul.u32 @!p0 $0xF7A, s2;
	p2 =	seq.s32 @!p0 s5, $0x0  }
0x1f: {  	s9 =	smul.u32 $0xF7A, s1;
	s8 =	simm.s32 @!p0 $0x1BF5;
	p2 =	por !p2, p0  }
0x20: {  	[sflag:s8] =	ssyncset.s32 @!p0 $0xFFFFF086;
	s6 =	sadd.s32 @!p0 s3, s7;
	s7 =	simm.s32 @!p0 $0x108  }
0x21: {  	s3 =	sadd.s32 s3, s9;
	s6 =	sadd.s32 @!p0 $0x88, s6;
	s7 =	simm.s32 @p2 $0x1082  }
0x22: {  	[simem:s7], [sflag:s8] =	dma.local @!p0 [hbm:s6], $0xF7A  }
0x23: {  	s9 =	sor.u32 $0xD0000000, s2;
	s6 =	simm.s32 $0x108;
	_ =	swait.ge @!p0 [sflag:s8], $0x0  }
0x24: {  	s3 =	sadd.s32 $0x88, s3;
	s6 =	simm.s32 @!p1 $0x1082;
	[sflag:s4] =	ssyncset.s32 $0xFFFFF086  }
0x25: {  	[simem:s6], [sflag:s4] =	dma.local [hbm:s3], $0xF7A  }
0x26: {  	[smem:$0x3FA0] =	sst s1;
	(tag) =	ssettag s2;
	_ =	strace s9  }
0x27: {  	s1 =	sld [smem:$0x3FB0]  }
0x28: {  	s2 =	sld [smem:$0x3FB1]  }
0x29: {  	s4 =	sld [smem:$0x3FB3]  }
0x2a: {  	p0 =	seq.s32 s5, $0x0;
	s5 =	sld [smem:$0x3FB4]  }
0x2b: {  	s6 =	sld [smem:$0x3FB5]  }
0x2c: {  	s7 =	sld [smem:$0x3FB6]  }
0x2d: {  	s3 =	simm.s32 $0x108;
	s8 =	sld [smem:$0x3FB7]  }
0x2e: {  	s3 =	simm.s32 @!p0 $0x1082;
	s9 =	sld [smem:$0x3FB8]  }
0x2f: {  	lr =	sadd.s32 s0, s3;
	s0 =	sld [smem:$0x3FAF]  }
0x30: {  	s3 =	sld [smem:$0x3FB2]  }
0x31: {  	[smem:$0x3FBB] =	sst s10  }
0x32: {  	s10 =	sld [smem:$0x3FB9];
	_ =	sdelay $0x3  }
0x33: {  	p0 =	seq.s32 s10, $0x1;
	s10 =	sld [smem:$0x3FBB];
	_ =	sdelay $0x3  }
0x34: {  	[smem:$0x3FBB] =	sst s10  }
0x35: {  	s10 =	sld [smem:$0x3FBA];
	_ =	sdelay $0x3  }
0x36: {  	p1 =	seq.s32 s10, $0x1;
	s10 =	sld [smem:$0x3FBB];
	_ =	sdelay $0x3  }
0x37: {  	[smem:$0x3FBB] =	sst s10  }
0x38: {  	s10 =	sld [smem:$0x3FBC]  }
0x39: {  	_ = 	snop;
	(pc) =	sbr.ind lr, $3  }
0x3a: {  	_ = 	snop  }
0x3b: {  	_ = 	snop  }
0x3c: {  	p2 =	seq.s32 s10, $0x1;
	s10 =	sld [smem:$0x3FBB]  }
0x3d: {  	_ =	shalt  }
0x3e: {  	_ =	shalt  }
0x3f: {  	_ =	shalt  }
0x40: {  	_ =	shalt  }
0x41: {  	_ =	shalt  }
0x42: {  	_ =	shalt  }
0x43: {  	_ =	shalt  }
0x44: {  	_ =	shalt  }
0x45: {  	_ =	shalt  }
0x46: {  	_ =	shalt  }
0x47: {  	_ =	shalt  }
0x48: {  	_ =	shalt  }
0x49: {  	_ =	shalt  }
0x4a: {  	_ =	shalt  }
0x4b: {  	_ =	shalt  }
0x4c: {  	_ =	shalt  }
0x4d: {  	_ =	shalt  }
0x4e: {  	_ =	shalt  }
0x4f: {  	_ =	shalt  }
0x50: {  	_ =	shalt  }
0x51: {  	_ =	shalt  }
0x52: {  	_ =	shalt  }
0x53: {  	_ =	shalt  }
0x54: {  	_ =	shalt  }
0x55: {  	_ =	shalt  }
0x56: {  	_ =	shalt  }
0x57: {  	_ =	shalt  }
0x58: {  	_ =	shalt  }
0x59: {  	_ =	shalt  }
0x5a: {  	_ =	shalt  }
0x5b: {  	_ =	shalt  }
0x5c: {  	_ =	shalt  }
0x5d: {  	_ =	shalt  }
0x5e: {  	_ =	shalt  }
0x5f: {  	_ =	shalt  }
0x60: {  	_ =	shalt  }
0x61: {  	_ =	shalt  }
0x62: {  	_ =	shalt  }
0x63: {  	_ =	shalt  }
0x64: {  	_ =	shalt  }
0x65: {  	_ =	shalt  }
0x66: {  	_ =	shalt  }
0x67: {  	_ =	shalt  }
0x68: {  	_ =	shalt  }
0x69: {  	_ =	shalt  }
0x6a: {  	_ =	shalt  }
0x6b: {  	_ =	shalt  }
0x6c: {  	_ =	shalt  }
0x6d: {  	_ =	shalt  }
0x6e: {  	_ =	shalt  }
0x6f: {  	_ =	shalt  }
0x70: {  	_ =	shalt  }
0x71: {  	_ =	shalt  }
0x72: {  	_ =	shalt  }
0x73: {  	_ =	shalt  }
0x74: {  	_ =	shalt  }
0x75: {  	_ =	shalt  }
0x76: {  	_ =	shalt  }
0x77: {  	_ =	shalt  }
0x78: {  	_ =	shalt  }
0x79: {  	_ =	shalt  }
0x7a: {  	_ =	shalt  }
0x7b: {  	_ =	shalt  }
0x7c: {  	_ =	shalt  }
0x7d: {  	_ =	shalt  }
0x7e: {  	_ =	shalt  }
0x7f: {  	_ =	shalt  }
0x80: {  	_ =	shalt  }
0x81: {  	_ =	shalt  }
0x82: {  	_ =	shalt  }
0x83: {  	_ =	shalt  }
0x84: {  	_ =	shalt  }
0x85: {  	_ =	shalt  }
0x86: {  	_ =	shalt  }
0x87: {  	_ =	shalt  }
.Lfunc_end0:
.L_simem_size_0:
called_computation_lowered:
.L_overlay_start_0:
0x88: {  	s2 =	sld [smem:$0x3FD9]  }
0x89: {  	s3 =	sld [smem:$0x3FFE];
	_ =	sdelay $0x1  }
0x8a: {  	s1 =	srdreg.scid  }
0x8b: {  	s0 =	sand.u32 $0x1, s1  }
0x8c: {  	s17 =	sshll.u32 s0, $0xA;
	s2 =	sadd.s32 s3, s2  }
0x8d: {  	s2 =	sadd.s32 s2, s17  }
0x8e: {  	[smem:$0x3FC7] =	sst s2  }
0x8f: {  	_ = 	snop  }
0x90: {  	s2 =	sld [smem:$0x3FC9]  }
0x91: {  	s18 =	sld [smem:$0x3FD0];
	(tm) =	ssettm $0x1  }
0x92: {  	s4 =	sld [smem:$0x3FFB];
	_ =	sdelay $0x3  }
0x93: {  	_ =	strace s4  }
0x94: {  	s4 =	sld [smem:$0x3FFC];
	_ =	sdelay $0x3  }
0x95: {  	_ =	strace s4  }
0x96: {  	s4 =	sld [smem:$0x3FFD];
	_ =	sdelay $0x3  }
0x97: {  	_ =	strace s4  }
0x98: {  	_ =	strace $0x8FFFFFFF  }
0x99: {  	s19 =	sld [smem:$0x3FDB];
	_ =	sdelay $0x1  }
0x9a: {  	s5 =	simm.s32 $_scs_section_size  }
0x9b: {  	s6 =	simm.s32 $_size__tile_overlayer_lowered;
	s7 =	simm.s32 $_tile_overlayer_lowered  }
0x9c: {  	s22 =	simm.s32 $0x1BFF;
	s21 =	sshll.u32 s7, $0x1;
	s4 =	sadd.s32 s5, s19  }
0x9d: {  	s8 =	simm.s32 $0x0;
	s20 =	sshll.u32 s6, $0x1;
	s6 =	sadd.s32 s21, s4  }
0x9e: {  	[timem:s8], [sflag:s22] =	dma.local [hbm:s6], s20  }
0x9f: {  	_ =	swait.ge [sflag:s22], s20  }
0xa0: {  	s5 =	ssub.s32 $0x0, s20;
	[sflag:s22] =	ssyncset.done $0x0  }
0xa1: {  	[sflag:s22] =	ssyncadd.s32 s5;
	_ =	sdelay $0x1  }
0xa2: {  	s23 =	simm.s32 $0x1B8B  }
0xa3: {  	_ =	swait.ge [sflag:s23], $0x1  }
0xa4: {  	[sflag:s23] =	ssyncset.done $0x0  }
0xa5: {  	s25 =	simm.s32 $0x1B8E;
	s24 =	sld [smem:$0x3FFE];
	[sflag:s23] =	ssyncadd.s32 $0xFFFFFFFF  }
0xa6: {  	s26 =	simm.s32 $execute0_lowered;
	[smem:$0x3FD2] =	sst s25  }
0xa7: {  	s6 =	sshll.u32 s26, $0x1;
	_ =	strace $0x80000046;
	[dreg:$0x1] =	wrdreg $0xFFFFFFFF  }
0xa8: {  	s28 =	simm.s32 $_size_execute0_lowered;
	s4 =	sadd.s32 s4, s6;
	[dreg:$0x0] =	wrdreg $0x0  }
0xa9: {  	s6 =	sshll.u32 s28, $0x1;
	[dreg:$0x2] =	wrdreg s4  }
0xaa: {  	[dreg:$0x3] =	wrdreg s6  }
0xab: {  	[dreg:$0x4] =	wrdreg $0xC0  }
0xac: {  	_ =	task [dreg:s8], $0x5FFFF  }
0xad: {  	[dreg:$0x1] =	wrdreg $0xFFFFFFFF  }
0xae: {  	[dreg:$0x0] =	wrdreg $0x60  }
0xaf: {  	[dreg:$0x2] =	wrdreg s2  }
0xb0: {  	[dreg:$0x3] =	wrdreg s18  }
0xb1: {  	[dreg:$0x4] =	wrdreg s24  }
0xb2: {  	[dreg:$0x5] =	wrdreg $0x9  }
0xb3: {  	_ =	task.clear_ibuf [dreg:s8], $0x6FFFF;
	_ =	strace $0x90000046  }
0xb4: {  	s29 =	simm.s32 $0x9;
	_ =	strace $0x80000048  }
0xb5: {  	_ =	swait.ge [sflag:s29], $0x1  }
0xb6: {  	[sflag:s29] =	ssyncadd.s32 $0xFFFFFFFF  }
0xb7: {  	_ =	strace $0x90000048  }
0xb8: {  	_ =	sfence  }
0xb9: {  	s30 =	sld [smem:$0x0];
	_ =	sdelay $0x2  }
0xba: {  	s31 =	sshll.u32 s1, $0xD;
	s1 =	sshrl.u32 s1, $0x2  }
0xbb: {  	s3 =	sand.u32 $0x4000, s31;
	s1 =	sadd.s32 s1, s30  }
0xbc: {  	s0 =	sor.u32 s3, s0;
	s1 =	sshll.u32 s1, $0x11  }
0xbd: {  	s0 =	sor.u32 s1, s0  }
0xbe: {  	s0 =	sadd.s32 $0x8F2B, s0  }
0xbf: {  	[sflag:s0] =	ssyncadd.remote.s32 $0x1  }
0xc0: {  	_ =	sfence.sel $0xFFFF  }
0xc1: {  	[dreg:$0x0] =	wrdreg $0xFFFFFFFF;
	(pc) =	sbr.abs _section_cstart, $3  }
0xc2: {  	[dreg:$0x1] =	wrdreg $0xFFFFFFFF  }
0xc3: {  	_ =	task.clear_ibuf [dreg:s8], $0x2FFFF;
	_ =	strace $0x9FFFFFFF  }
0xc4: {  	(tm) =	ssettm $0x7FFFFFFF  }
0xc5: {  	_ =	shalt  }
tec
execute0_lowered:
.L_overlay_start_1:
0x0: {  	(tag) =	ssettag $0x1  }
0x1: {  	s1 =	rddreg [dreg:$0x0]  }
0x2: {  	s5 =	rddreg [dreg:$0x1]  }
0x3: {  	s4 =	rddreg [dreg:$0x2]  }
0x4: {  	s0 =	rddreg [dreg:$0x3]  }
0x5: {  	s3 =	simm.s32 $0x0;
	s2 =	stileid.u32;
	s7 =	srdreg.scid  }
0x6: {  	s12 =	simm.s32 $0x4000;
	s13 =	simm.s32 $0x10860;
	s14 =	simm.s32 $0x14870  }
0x7: {  	s15 =	simm.s32 $0x2;
	s16 =	simm.s32 $0x3;
	s17 =	simm.s32 $0x0  }
0x8: {  	[smem:$0x7FF] =	sst s3;
	s6 =	sshll.u32 s2, $0xE;
	s30 =	sand.u32 $0x1, s7  }
0x9: {  	s11 =	sshll.u32 s2, $0xC;
	_ =	strace $0x80000047;
	s8 =	sadd.s32 s6, s4  }
.Ltmp0:
0xa: {  	s7 =	ssub.s32 $0x2, s30;
	s4 =	sshll.u32 s2, $0x15;
	(pc) =	sbr.rel .LBB2_1-.Ltmp0, $4  }
0xb: {  	v0 =	vlaneseq.u32;
	s9 =	sshll.u32 s30, $0x14;
	s5 =	sadd.s32 s5, s11;
	s6 =	sshll.u32 s30, $0x2  }
0xc: {  	v3 =	vmul.u32 $0xFFFFFFFF, v0;
	s11 =	simm.s32 $0x8000;
	s10 =	sshrl.u32 s7, $0x1;
	s9 =	sor.u32 s9, s4  }
0xd: {  	v1 =	vimm.s32 $0x1;
	s8 =	sadd.s32 $0x600, s8;
	s10 =	ssub.s32 s7, s10;
	s31 =	sshrl.u32 s9, $0x3  }
0xe: {  	vm0 =	vmxor vm0, vm0;
	v2 =	vimm.s32 $0x0;
	v3 =	vadd.s32 $0xF, v3;
	s7 =	sadd.s32 s1, s31;
	s9 =	smax.u32 s10, $0x1;
	s10 =	simm.s32 $0x1  }
.LBB2_36:
0xf: {  	s17 =	sadd.s32 $0x1, s17  }
0x10: {  	p0 =	sne.s32 s17, s9  }
.Ltmp1:
0x11: {  	_ = 	snop;
	(pc) =	sbr.rel @!p0 .LBB2_37-.Ltmp1, $4  }
0x12: {  	_ = 	snop  }
0x13: {  	_ =	swait.ge [sflag:s16], $0x4000  }
0x14: {  	[sflag:s16] =	ssyncset.done $0x0  }
0x15: {  	[sflag:s16] =	ssyncadd.s32 $0xFFFFC000  }
.LBB2_1:
0x16: {  	[tilespmem:s3], [sflag:$0x1] =	stream.linear.gather [hbm4b:s5+s3], $0x8000, $0x38;
	[tilespmem:$0x1C870] =	vst v63  }
0x17: {  	_ =	swait.ge [sflag:s10], $0x8000  }
0x18: {  	[sflag:s10] =	ssyncset.done $0x0  }
0x19: {  	s18 =	simm.s32 $0x0;
	[sflag:s10] =	ssyncadd.s32 $0xFFFF8000  }
.LBB2_2:
0x1a: {  	p0 =	sne.s32 s18, $0xFF80  }
.Ltmp2:
0x1b: {  	_ = 	snop;
	(pc) =	sbr.rel @p0 .LBB2_2-.Ltmp2, $4  }
0x1c: {  	_ = 	snop  }
0x1d: {  	s19 =	sshra.s32 s18, $0x2;
	v4 =	vimm.s32 $0x0  }
0x1e: {  	[tilespmem:s19+$0x8000] =	vst v4  }
0x1f: {  	s18 =	sadd.s32 $0x80, s18;
	[tilespmem:s19+$0x8010] =	vst v4  }
0x20: {  	s20 =	simm.s32 $0x0  }
0x21: {  	v7 =	vld [tilespmem:s20+$0x0]  }
0x22: {  	v11 =	vld [tilespmem:s20+$0x10]  }
0x23: {  	v5 =	vld [tilespmem:s20+$0x20];
	_ =	sdelay $0x1  }
0x24: {  	v6 =	vld [tilespmem:s20+$0x30];
	_ =	sdelay $0x1  }
0x25: {  	v8 =	vshra.s32 v7, $0x12;
	vm1 =	vgt.s32 v7, v11  }
0x26: {  	s18 =	simm.s32 $0x100;
	s19 =	simm.s32 $0x200;
	v9 =	vshra.s32 v11, $0x12;
	v10 =	vshra.s32 v5, $0x12;
	v7 =	vsel vm1, v7, v11  }
.LBB2_4:
0x27: {  	p0 =	sne.s32 s19, $0x1FF00  }
0x28: {  	s20 =	sshra.s32 s18, $0x2;
	v11 =	vshra.s32 v6, $0x12;
	vm1 =	vgt.s32 v5, v6;
	s18 =	smov.u32 s19;
	s19 =	sadd.s32 $0x100, s19  }
0x29: {  	v5 =	vsel vm1, v5, v6  }
0x2a: {  	[tilespmem:v8+s11+$0x0] =	vst.idx.add.s32.msk $0xffff, v1;
	vm1 =	vgt.s32 v7, v5  }
0x2b: {  	[tilespmem:v9+s11+$0x0] =	vst.idx.add.s32.msk $0xffff, v1;
	v5 =	vsel vm1, v7, v5  }
0x2c: {  	[tilespmem:v10+s11+$0x0] =	vst.idx.add.s32.msk $0xffff, v1;
	vm1 =	vgt.s32 v4, v5  }
0x2d: {  	[tilespmem:v11+s11+$0x0] =	vst.idx.add.s32.msk $0xffff, v1;
	v4 =	vsel vm1, v4, v5  }
0x2e: {  	v7 =	vld [tilespmem:s20+$0x0]  }
0x2f: {  	v11 =	vld [tilespmem:s20+$0x10]  }
0x30: {  	v5 =	vld [tilespmem:s20+$0x20]  }
.Ltmp3:
0x31: {  	v6 =	vld [tilespmem:s20+$0x30];
	(pc) =	sbr.rel @p0 .LBB2_4-.Ltmp3, $4  }
0x32: {  	_ = 	snop  }
0x33: {  	v8 =	vshra.s32 v7, $0x12  }
0x34: {  	v9 =	vshra.s32 v11, $0x12;
	vm1 =	vgt.s32 v7, v11  }
0x35: {  	v10 =	vshra.s32 v5, $0x12;
	v7 =	vsel vm1, v7, v11  }
0x36: {  	_ =	sdelay $0x1  }
0x37: {  	v11 =	vshra.s32 v6, $0x12;
	_ =	sdelay $0x1  }
0x38: {  	[tilespmem:v8+s11+$0x0] =	vst.idx.add.s32.msk $0xffff, v1  }
0x39: {  	[tilespmem:v9+s11+$0x0] =	vst.idx.add.s32.msk $0xffff, v1  }
0x3a: {  	[tilespmem:v10+s11+$0x0] =	vst.idx.add.s32.msk $0xffff, v1  }
0x3b: {  	s18 =	sshra.s32 s18, $0x2;
	[tilespmem:v11+s11+$0x0] =	vst.idx.add.s32.msk $0xffff, v1  }
0x3c: {  	v8 =	vld [tilespmem:s18+$0x0]  }
0x3d: {  	v9 =	vld [tilespmem:s18+$0x10]  }
0x3e: {  	v10 =	vld [tilespmem:s18+$0x20]  }
0x3f: {  	v11 =	vld [tilespmem:s18+$0x30];
	_ =	sdelay $0x2  }
0x40: {  	vm1 =	vgt.s32 v5, v6  }
0x41: {  	v5 =	vsel vm1, v5, v6  }
0x42: {  	vm1 =	vgt.s32 v7, v5;
	vm2 =	vgt.s32 v8, v9;
	vm3 =	vgt.s32 v10, v11  }
0x43: {  	v5 =	vsel vm1, v7, v5;
	v60 =	vsel vm2, v8, v9;
	v61 =	vsel vm3, v10, v11  }
0x44: {  	vm1 =	vgt.s32 v4, v5;
	vm2 =	vgt.s32 v60, v61  }
0x45: {  	v4 =	vsel vm1, v4, v5;
	v5 =	vsel vm2, v60, v61  }
0x46: {  	vm1 =	vgt.s32 v4, v5  }
0x47: {  	v4 =	vsel vm1, v4, v5  }
0x48: {  	v4 =	vxor.u32 $0x80000000, v4  }
0x49: {  	(xrf0) =	vmax.scan.msk.u32 $0xffff, v4;
	_ =	sdelay $0x5  }
0x4a: {  	v4, _, _ =	vpop (xrf0)  }
0x4b: {  	(v2sf) =	vpush v4, $0xF;
	_ =	sdelay $0xe  }
0x4c: {  	s30 =	spop (v2sf)  }
0x4d: {  	s19 =	sshra.s32 s30, $0x12  }
0x4e: {  	s20 =	sxor.u32 $0xFFFFE000, s19  }
0x4f: {  	s18 =	sand.u32 $0x3C0000, s30;
	p1 =	sgt.s32 s19, $0xFFFFFFFF;
	p0 =	slt.s32 s20, $0x1  }
0x50: {  	p6 =	sne.s32 s18, $0x0;
	p0 =	por p1, p0  }
0x51: {  	s31 =	sshrl.u32 s20, $0x1C;
	p0 =	por !p6, !p0  }
0x52: {  	v4 =	vshra.s32 v8, $0x12;
	s19 =	simm.s32 $0x1;
	s18 =	sadd.s32 s31, s20;
	p0 =	por !p0, !p0  }
0x53: {  	v5 =	vshra.s32 v9, $0x12;
	s18 =	sshra.s32 s18, $0x4;
	s19 =	simm.s32 @!p0 $0x0  }
0x54: {  	v62 =	vshra.s32 v10, $0x12;
	s21 =	ssub.s32 s18, s19  }
0x55: {  	v63 =	vshra.s32 v11, $0x12;
	p0 =	slt.s32 s21, $0x0  }
.Ltmp4:
0x56: {  	_ = 	snop;
	(pc) =	sbr.rel @p0 .LBB2_9-.Ltmp4, $4  }
0x57: {  	[tilespmem:v4+s11+$0x0] =	vst.idx.add.s32.msk $0xffff, v1  }
0x58: {  	[tilespmem:v5+s11+$0x0] =	vst.idx.add.s32.msk $0xffff, v1  }
0x59: {  	[tilespmem:v62+s11+$0x0] =	vst.idx.add.s32.msk $0xffff, v1  }
0x5a: {  	[tilespmem:v63+s11+$0x0] =	vst.idx.add.s32.msk $0xffff, v1;
	s19 =	simm.s32 $0x0;
	s18 =	simm.s32 $0x0  }
0x5b: {  	s18 =	sshll.u32 s21, $0x6  }
0x5c: {  	s20 =	ssub.s32 $0x0, s21;
	s21 =	sshllo.u32 s21, $0x4;
	s18 =	sshra.s32 s18, $0x2  }
0x5d: {  	s23 =	simm.s32 $0x0;
	s22 =	sadd.s32 $0x8000, s18;
	s18 =	simm.s32 $0x0  }
.LBB2_7:
0x5e: {  	v4 =	vld [tilespmem:s22+$0x0];
	_ =	sdelay $0x4  }
0x5f: {  	v5 =	vperm.xlane v4, v3;
	_ =	sdelay $0x1  }
0x60: {  	(xrf0) =	vadd.scan.msk.s32 $0xffff, v5;
	_ =	sdelay $0x5  }
0x61: {  	v5, _, _ =	vpop (xrf0)  }
0x62: {  	(xrf0) =	vadd.scan.msk.s32 $0xffff, v4;
	v4 =	vadd.s32 s23, v5  }
0x63: {  	vm1 =	vgt.s32 v4, $0x7FF  }
0x64: {  	v4 =	vmpcnt.ones.xlane vm1  }
0x65: {  	v5 =	vmctz.xlane vm1  }
0x66: {  	(v2sf) =	vpush v4, $0x0  }
0x67: {  	(v2sf) =	vpush v5, $0x0;
	_ =	sdelay $0x4  }
0x68: {  	v4, _, _ =	vpop (xrf0)  }
0x69: {  	(v2sf) =	vpush v4, $0xF;
	_ =	sdelay $0x7  }
0x6a: {  	s24 =	spop (v2sf)  }
0x6b: {  	p0 =	seq.s32 s20, $0x0;
	s25 =	spop (v2sf)  }
0x6c: {  	p1 =	sgt.s32 s24, $0x0;
	p2 =	sgt.s32 @!p0 s24, $0x0;
	s25 =	ssub.s32 s21, s25  }
0x6d: {  	s18 =	smov.u32 @p1 s25;
	p1 =	por p0, p2  }
.Ltmp5:
0x6e: {  	_ = 	snop;
	(pc) =	sbr.rel @!p1 .LBB2_7-.Ltmp5, $3  }
0x6f: {  	_ =	sdelay $0x1  }
0x70: {  	s20 =	sadd.s32 $0x1, s20;
	s26 =	spop (v2sf)  }
0x71: {  	s22 =	sadd.s32 $0xFFFFFFF0, s22;
	s21 =	sadd.s32 $0xFFFFFFF0, s21;
	s23 =	sadd.s32 s23, s26  }
0x72: {  	s18 =	smov.u32 @p0 s18  }
.LBB2_9:
0x73: {  	s21 =	simm.s32 $0x10  }
0x74: {  	v6 =	vld [tilespmem:s21+$0xFFFFFFF0];
	_ =	sdelay $0x4  }
0x75: {  	v4 =	vmov s18;
	p0 =	por $0x1, $0x1;
	vm1 =	vmmov vm0;
	v5 =	vshra.s32 v6, $0x12  }
0x76: {  	vm1 =	vmneg @p0 vm1;
	vm2 =	vge.s32 v5, v4  }
0x77: {  	vm1 =	vmand vm1, vm2  }
0x78: {  	v5 =	vmpcnt.ones.xlane vm1;
	_ =	sdelay $0x1  }
0x79: {  	(v2sf) =	vpush v5, $0x0;
	_ =	sdelay $0xb  }
0x7a: {  	v5 =	vld [tilespmem:s21+$0x0];
	_ =	sdelay $0x2  }
0x7b: {  	s22 =	spop (v2sf)  }
0x7c: {  	s20 =	simm.s32 $0x20;
	s24 =	sadd.s32 $0x0, s22  }
0x7d: {  	s23 =	simm.s32 $0x40;
	v7 =	vshra.s32 v5, $0x12;
	s22 =	simm.s32 $0x0;
	p1 =	slt.s32 s24, $0x2000  }
.LBB2_10:
0x7e: {  	vm3 =	vmmov vm0  }
0x7f: {  	p0 =	sne.s32 s23, $0x7FE0;
	[tilespmem:s19+$0xC000] =	vst.msk vm1, v6;
	v6 =	vor.u32 s22, v0;
	vm2 =	vge.s32 v7, v4;
	vm3 =	vmneg @p1 vm3  }
0x80: {  	s25 =	sadd.s32 $0x10, s22;
	s22 =	smov.u32 s20;
	s20 =	smov.u32 s23;
	[tilespmem:s19+$0xE040] =	vst.msk vm1, v6;
	vm1 =	vmand vm2, vm3  }
0x81: {  	[tilespmem:s24+$0xC000] =	vst.msk vm1, v5;
	v5 =	vor.u32 s25, v0;
	v7 =	vmpcnt.ones.xlane vm1  }
0x82: {  	s21 =	sadd.s32 $0x20, s21;
	[tilespmem:s24+$0xE040] =	vst.msk vm1, v5  }
0x83: {  	v6 =	vld [tilespmem:s21+$0xFFFFFFF0];
	(v2sf) =	vpush v7, $0x0  }
0x84: {  	v5 =	vld [tilespmem:s21+$0x0];
	_ =	sdelay $0xd  }
0x85: {  	s19 =	spop (v2sf)  }
0x86: {  	s19 =	sadd.s32 s24, s19  }
0x87: {  	vm2 =	vmmov vm0;
	v7 =	vshra.s32 v6, $0x12;
	p1 =	slt.s32 s19, $0x2000  }
0x88: {  	vm1 =	vge.s32 v7, v4;
	vm2 =	vmneg @p1 vm2  }
0x89: {  	vm1 =	vmand vm2, vm1  }
0x8a: {  	v7 =	vmpcnt.ones.xlane vm1;
	_ =	sdelay $0x1  }
0x8b: {  	(v2sf) =	vpush v7, $0x0;
	_ =	sdelay $0xc  }
.Ltmp6:
0x8c: {  	(pc) =	sbr.rel @p0 .LBB2_10-.Ltmp6, $4  }
0x8d: {  	_ = 	snop  }
0x8e: {  	s24 =	spop (v2sf)  }
0x8f: {  	s24 =	sadd.s32 s19, s24  }
0x90: {  	s23 =	sadd.s32 $0x20, s23;
	v7 =	vshra.s32 v5, $0x12;
	p1 =	slt.s32 s24, $0x2000  }
0x91: {  	vm2 =	vmmov vm0  }
0x92: {  	vm3 =	vge.s32 v7, v4;
	vm2 =	vmneg @p1 vm2  }
0x93: {  	vm2 =	vmand vm3, vm2  }
0x94: {  	v58 =	vmpcnt.ones.xlane vm2;
	_ =	sdelay $0x1  }
0x95: {  	(v2sf) =	vpush v58, $0x0;
	_ =	sdelay $0x7  }
0x96: {  	[tilespmem:s19+$0xC000] =	vst.msk vm1, v6;
	v59 =	vor.u32 s22, v0  }
0x97: {  	s31 =	sadd.s32 $0x10, s22;
	[tilespmem:s19+$0xE040] =	vst.msk vm1, v59  }
0x98: {  	[tilespmem:s24+$0xC000] =	vst.msk vm2, v5;
	v5 =	vor.u32 s31, v0  }
0x99: {  	s22 =	sadd.s32 $0x20, s21;
	[tilespmem:s24+$0xE040] =	vst.msk vm2, v5  }
0x9a: {  	v5 =	vld [tilespmem:s22+$0xFFFFFFF0];
	_ =	sdelay $0x2  }
0x9b: {  	s23 =	spop (v2sf)  }
0x9c: {  	s21 =	sadd.s32 s24, s23  }
0x9d: {  	vm1 =	vmmov vm0;
	v60 =	vshra.s32 v5, $0x12;
	p0 =	slt.s32 s21, $0x2000  }
0x9e: {  	vm2 =	vge.s32 v60, v4;
	vm1 =	vmneg @p0 vm1  }
0x9f: {  	vm1 =	vmand vm1, vm2  }
0xa0: {  	v61 =	vmpcnt.ones.xlane vm1;
	_ =	sdelay $0x1  }
0xa1: {  	(v2sf) =	vpush v61, $0x0;
	_ =	sdelay $0xb  }
0xa2: {  	v62 =	vld [tilespmem:s22+$0x0];
	_ =	sdelay $0x2  }
0xa3: {  	s25 =	spop (v2sf)  }
0xa4: {  	s26 =	sadd.s32 s21, s25  }
0xa5: {  	v63 =	vshra.s32 v62, $0x12;
	vm2 =	vmmov vm0;
	p0 =	slt.s32 s26, $0x2000  }
0xa6: {  	vm3 =	vge.s32 v63, v4;
	vm2 =	vmneg @p0 vm2  }
0xa7: {  	vm2 =	vmand vm3, vm2  }
0xa8: {  	v4 =	vmpcnt.ones.xlane vm2;
	_ =	sdelay $0x1  }
0xa9: {  	(v2sf) =	vpush v4, $0x0;
	_ =	sdelay $0xe  }
0xaa: {  	s28 =	spop (v2sf)  }
0xab: {  	s19 =	sadd.s32 s26, s28  }
0xac: {  	[tilespmem:s21+$0xC000] =	vst.msk vm1, v5;
	v4 =	vor.u32 s20, v0;
	s23 =	sadd.s32 $0x3F, s19  }
0xad: {  	s29 =	sadd.s32 $0x10, s20;
	[tilespmem:s21+$0xE040] =	vst.msk vm1, v4;
	s30 =	sand.u32 $0x3F, s23  }
0xae: {  	v4 =	vor.u32 s29, v0;
	[tilespmem:s26+$0xC000] =	vst.msk vm2, v62;
	s31 =	sshra.s32 s23, $0x1F;
	p5 =	slt.s32 s23, $0x1;
	p6 =	sne.s32 s30, $0x0  }
.Ltmp7:
0xaf: {  	[tilespmem:s26+$0xE040] =	vst.msk vm2, v4;
	s20 =	sshrl.u32 s31, $0x1A;
	p0 =	por !p5, !p6;
	(pc) =	sbr.rel .LBB2_12-.Ltmp7, $4  }
0xb0: {  	s21 =	simm.s32 $0x1;
	[tilespmem:s19+$0xC000] =	vst v2;
	s20 =	sadd.s32 s20, s23;
	p0 =	por !p0, !p0  }
0xb1: {  	[tilespmem:s19+$0xC010] =	vst v2;
	s20 =	sshra.s32 s20, $0x6;
	s21 =	simm.s32 @!p0 $0x0  }
0xb2: {  	s18 =	sshll.u32 s18, $0x12;
	[tilespmem:s19+$0xC020] =	vst v2;
	s20 =	ssub.s32 s20, s21  }
0xb3: {  	s22 =	sor.u32 $0x3FFFF, s18;
	[tilespmem:s19+$0xC030] =	vst v2;
	s21 =	simm.s32 $0x0;
	p0 =	slt.s32 s20, $0x1  }
.LBB2_13:
0xb4: {  	v4 =	vimm.s32 $0x0  }
.LBB2_19:
0xb5: {  	(xrf0) =	vadd.scan.msk.s32 $0xffff, v4;
	_ =	sdelay $0x5  }
0xb6: {  	v4, _, _ =	vpop (xrf0)  }
0xb7: {  	(v2sf) =	vpush v4, $0xF;
	_ =	sdelay $0xb  }
0xb8: {  	s21 =	sadd.s32 $0x1, s21  }
0xb9: {  	p2 =	seq.s32 s21, $0x12  }
.Ltmp8:
0xba: {  	_ = 	snop;
	(pc) =	sbr.rel @p2 .LBB2_14-.Ltmp8, $4  }
0xbb: {  	s24 =	spop (v2sf)  }
0xbc: {  	p1 =	sgt.s32 s24, $0x7FF;
	s24 =	sadd.s32 $0xFFFFFFFF, s23  }
0xbd: {  	s24 =	smov.u32 @p1 s22  }
0xbe: {  	s18 =	smov.u32 @p1 s23;
	s22 =	smov.u32 s24  }
.LBB2_12:
.Ltmp9:
0xbf: {  	(pc) =	sbr.rel @p0 .LBB2_13-.Ltmp9, $4  }
0xc0: {  	s23 =	ssub.s32 s22, s18  }
0xc1: {  	s23 =	sadd.s32 $0x1, s23  }
0xc2: {  	s23 =	sshra.s32 s23, $0x1  }
0xc3: {  	s23 =	sadd.s32 s18, s23  }
0xc4: {  	s25 =	simm.s32 $0xC020  }
0xc5: {  	p1 =	sne.s32 s20, $0x1;
	v9 =	vld [tilespmem:s25+$0xFFFFFFE0]  }
.Ltmp10:
0xc6: {  	v5 =	vld [tilespmem:s25+$0xFFFFFFF0];
	(pc) =	sbr.rel @!p1 .LBB2_18-.Ltmp10, $4  }
0xc7: {  	v6 =	vld [tilespmem:s25+$0x0]  }
0xc8: {  	v7 =	vld [tilespmem:s25+$0x10]  }
0xc9: {  	v4 =	vmov s23  }
0xca: {  	v8 =	vimm.s32 $0x0;
	s24 =	sadd.s32 $0xFFFFFFFF, s20;
	s25 =	simm.s32 $0xC060;
	vm1 =	vge.s32 v9, v4  }
.LBB2_17:
0xcb: {  	v9 =	vld [tilespmem:s25+$0xFFFFFFE0];
	p1 =	sne.s32 s24, $0x1;
	s24 =	sadd.s32 $0xFFFFFFFF, s24;
	v10 =	vsel vm1, $0x1, v2;
	vm1 =	vge.s32 v5, v4  }
.Ltmp11:
0xcc: {  	v5 =	vld [tilespmem:s25+$0xFFFFFFF0];
	v11 =	vsel vm1, $0x1, v2;
	vm1 =	vge.s32 v6, v4;
	v8 =	vadd.s32 v10, v8;
	(pc) =	sbr.rel @p1 .LBB2_17-.Ltmp11, $4  }
0xcd: {  	v6 =	vld [tilespmem:s25+$0x0];
	v10 =	vsel vm1, $0x1, v2;
	vm1 =	vge.s32 v7, v4;
	v8 =	vadd.s32 v11, v8  }
0xce: {  	v7 =	vld [tilespmem:s25+$0x10];
	v11 =	vsel vm1, $0x1, v2;
	v8 =	vadd.s32 v10, v8  }
0xcf: {  	v8 =	vadd.s32 v11, v8  }
0xd0: {  	s25 =	sadd.s32 $0x40, s25;
	vm1 =	vge.s32 v9, v4  }
.LBB2_18:
.Ltmp12:
0xd1: {  	v9 =	vsel vm1, $0x1, v2;
	vm1 =	vge.s32 v5, v4;
	(pc) =	sbr.rel .LBB2_19-.Ltmp12, $4  }
0xd2: {  	v5 =	vsel vm1, $0x1, v2;
	vm1 =	vge.s32 v6, v4;
	v6 =	vadd.s32 v9, v8  }
0xd3: {  	v63 =	vsel vm1, $0x1, v2;
	vm1 =	vge.s32 v7, v4;
	v4 =	vadd.s32 v5, v6  }
0xd4: {  	v5 =	vsel vm1, $0x1, v2;
	v4 =	vadd.s32 v63, v4  }
0xd5: {  	v4 =	vadd.s32 v5, v4  }
.LBB2_14:
.Ltmp13:
0xd6: {  	(pc) =	sbr.rel @p0 .LBB2_15-.Ltmp13, $2  }
0xd7: {  	_ =	sdelay $0x2  }
0xd8: {  	v4 =	vmov s18  }
0xd9: {  	s21 =	simm.s32 $0xC020  }
0xda: {  	p0 =	sne.s32 s20, $0x1;
	v9 =	vld [tilespmem:s21+$0xFFFFFFE0]  }
.Ltmp14:
0xdb: {  	v5 =	vld [tilespmem:s21+$0xFFFFFFF0];
	(pc) =	sbr.rel @!p0 .LBB2_22-.Ltmp14, $3  }
0xdc: {  	v7 =	vld [tilespmem:s21+$0x0]  }
0xdd: {  	v6 =	vld [tilespmem:s21+$0x10];
	_ =	sdelay $0x1  }
0xde: {  	v8 =	vimm.s32 $0x0;
	s18 =	sadd.s32 $0xFFFFFFFF, s20;
	s20 =	simm.s32 $0xC060;
	vm1 =	vgt.s32 v9, v4  }
.LBB2_21:
0xdf: {  	v9 =	vld [tilespmem:s20+$0xFFFFFFE0];
	p0 =	sne.s32 s18, $0x1;
	s18 =	sadd.s32 $0xFFFFFFFF, s18;
	v10 =	vsel vm1, $0x1, v2;
	vm1 =	vgt.s32 v5, v4  }
.Ltmp15:
0xe0: {  	v5 =	vld [tilespmem:s20+$0xFFFFFFF0];
	v11 =	vsel vm1, $0x1, v2;
	vm1 =	vgt.s32 v7, v4;
	v8 =	vadd.s32 v10, v8;
	(pc) =	sbr.rel @p0 .LBB2_21-.Ltmp15, $4  }
0xe1: {  	v7 =	vld [tilespmem:s20+$0x0];
	v10 =	vsel vm1, $0x1, v2;
	vm1 =	vgt.s32 v6, v4;
	v8 =	vadd.s32 v11, v8  }
0xe2: {  	v6 =	vld [tilespmem:s20+$0x10];
	v11 =	vsel vm1, $0x1, v2;
	v8 =	vadd.s32 v10, v8  }
0xe3: {  	v8 =	vadd.s32 v11, v8  }
0xe4: {  	s20 =	sadd.s32 $0x40, s20;
	vm1 =	vgt.s32 v9, v4  }
.LBB2_22:
.Ltmp16:
0xe5: {  	v9 =	vsel vm1, $0x1, v2;
	vm1 =	vgt.s32 v5, v4;
	(pc) =	sbr.rel .LBB2_23-.Ltmp16, $4  }
0xe6: {  	v5 =	vsel vm1, $0x1, v2;
	vm1 =	vgt.s32 v7, v4;
	v7 =	vadd.s32 v9, v8  }
0xe7: {  	v63 =	vsel vm1, $0x1, v2;
	vm1 =	vgt.s32 v6, v4;
	v5 =	vadd.s32 v5, v7  }
0xe8: {  	v6 =	vsel vm1, $0x1, v2;
	v5 =	vadd.s32 v63, v5  }
0xe9: {  	v5 =	vadd.s32 v6, v5  }
.LBB2_15:
0xea: {  	v5 =	vimm.s32 $0x0  }
.LBB2_23:
0xeb: {  	s18 =	sadd.s32 $0xF, s19  }
0xec: {  	s20 =	sand.u32 $0xF, s18  }
0xed: {  	s21 =	sshra.s32 s18, $0x1F;
	p0 =	slt.s32 s18, $0x1;
	p1 =	sne.s32 s20, $0x0  }
0xee: {  	s31 =	sshrl.u32 s21, $0x1C;
	p0 =	por !p0, !p1  }
0xef: {  	s20 =	simm.s32 $0x1;
	s18 =	sadd.s32 s31, s18;
	p0 =	por !p0, !p0  }
0xf0: {  	s18 =	sshra.s32 s18, $0x4;
	s20 =	simm.s32 @!p0 $0x0  }
0xf1: {  	s21 =	ssub.s32 s18, s20  }
0xf2: {  	p0 =	slt.s32 s21, $0x1  }
.Ltmp17:
0xf3: {  	_ = 	snop;
	(pc) =	sbr.rel @p0 .LBB2_30-.Ltmp17, $1  }
0xf4: {  	_ =	sdelay $0x3  }
0xf5: {  	(xrf0) =	vadd.scan.msk.s32 $0xffff, v5;
	_ =	sdelay $0x5  }
0xf6: {  	v5, _, _ =	vpop (xrf0)  }
0xf7: {  	(v2sf) =	vpush v5, $0xF;
	_ =	sdelay $0xb  }
0xf8: {  	p1 =	sne.s32 s21, $0x1  }
.Ltmp18:
0xf9: {  	_ = 	snop;
	(pc) =	sbr.rel @!p1 .LBB2_25-.Ltmp18, $4  }
0xfa: {  	_ = 	snop  }
0xfb: {  	s18 =	spop (v2sf)  }
0xfc: {  	s22 =	simm.s32 $0xC000;
	s20 =	simm.s32 $0xE040;
	s18 =	ssub.s32 $0x800, s18  }
0xfd: {  	v6 =	vmov s19;
	s19 =	sadd.s32 $0xFFFFFFFF, s21;
	p0 =	por $0x0, $0x0;
	v7 =	vld [tilespmem:s22+$0x0];
	v5 =	vmov s18;
	s18 =	simm.s32 $0x0  }
0xfe: {  	_ =	sdelay $0x2  }
0xff: {  	v8 =	vor.u32 s18, v0  }
0x100: {  	vm1 =	vlt.s32 v8, v6;
	vm2 =	veq.s32 v7, v4  }
0x101: {  	vm2 =	vmand vm1, vm2  }
0x102: {  	vm3 =	vgt.s32 v7, v4;
	v8 =	vsel vm2, $0x1, v2;
	v7 =	vmpcnt.ones.xlane vm2  }
0x103: {  	(xrf0) =	vadd.scan.msk.s32 $0xffff, v8  }
0x104: {  	(v2sf) =	vpush v7, $0x0;
	_ =	sdelay $0x4  }
0x105: {  	v8 =	vld [tilespmem:s20+$0x0];
	v9, _, _ =	vpop (xrf0)  }
0x106: {  	p1 =	sne.s32 s19, $0x1;
	v9 =	vadd.s32 s18, v9  }
.Ltmp19:
0x107: {  	vm4 =	vle.s32 v9, v5;
	(pc) =	sbr.rel @!p1 .LBB2_27-.Ltmp19, $4  }
0x108: {  	vm1 =	vmand vm1, vm3;
	vm3 =	vmand vm2, vm4  }
0x109: {  	s24 =	simm.s32 $0xC010;
	vm1 =	vmor vm1, vm3  }
0x10a: {  	s25 =	sadd.s32 $0xFFFFFFFF, s19;
	p0 =	por $0x1, $0x1;
	s23 =	simm.s32 $0x0;
	[tilespmem:s18+$0x10050] =	vst.msk vm1, v8;
	v8 =	vmpcnt.ones.xlane vm1  }
0x10b: {  	s22 =	simm.s32 $0x0;
	s21 =	simm.s32 $0xE040;
	s19 =	simm.s32 $0x0;
	v7 =	vld [tilespmem:s24+$0x0]  }
.LBB2_28:
0x10c: {  	p1 =	sne.s32 s25, $0x1;
	(v2sf) =	vpush v8, $0x0;
	_ =	sdelay $0x1  }
0x10d: {  	s23 =	sadd.s32 $0x10, s23  }
0x10e: {  	v8 =	vor.u32 s23, v0;
	s26 =	spop (v2sf)  }
0x10f: {  	vm1 =	vlt.s32 v8, v6;
	vm2 =	veq.s32 v7, v4;
	s22 =	sadd.s32 s22, s26  }
0x110: {  	vm2 =	vmand vm1, vm2  }
0x111: {  	v8 =	vsel vm2, $0x1, v2;
	v9 =	vmpcnt.ones.xlane vm2  }
0x112: {  	(xrf0) =	vadd.scan.msk.s32 $0xffff, v8  }
0x113: {  	(v2sf) =	vpush v9, $0x0;
	_ =	sdelay $0x3  }
0x114: {  	s21 =	sadd.s32 $0x10, s21  }
0x115: {  	v8 =	vld [tilespmem:s21+$0x0];
	v9, _, _ =	vpop (xrf0)  }
0x116: {  	v9 =	vadd.s32 s22, v9  }
.Ltmp20:
0x117: {  	vm3 =	vgt.s32 v7, v4;
	vm4 =	vle.s32 v9, v5;
	s26 =	spop (v2sf);
	(pc) =	sbr.rel @p1 .LBB2_28-.Ltmp20, $4  }
0x118: {  	vm1 =	vmand vm1, vm3;
	vm2 =	vmand vm2, vm4;
	s19 =	sadd.s32 s19, s26  }
0x119: {  	vm1 =	vmor vm1, vm2  }
0x11a: {  	s24 =	sadd.s32 $0x10, s24;
	[tilespmem:s19+$0x10050] =	vst.msk vm1, v8;
	v8 =	vmpcnt.ones.xlane vm1  }
0x11b: {  	s25 =	sadd.s32 $0xFFFFFFFF, s25;
	v7 =	vld [tilespmem:s24+$0x0]  }
.LBB2_29:
0x11c: {  	_ = 	snop  }
0x11d: {  	s23 =	sadd.s32 @p0 $0x10, s23;
	s24 =	simm.s32 $0x0  }
0x11e: {  	s24 =	smov.u32 @p0 s23  }
0x11f: {  	v9 =	vor.u32 s24, v0  }
0x120: {  	vm1 =	vlt.s32 v9, v6;
	vm2 =	veq.s32 v7, v4  }
0x121: {  	vm2 =	vmand vm1, vm2  }
0x122: {  	v63 =	vsel vm2, $0x1, v2  }
0x123: {  	(xrf0) =	vadd.scan.msk.s32 $0xffff, v63;
	_ =	sdelay $0x3  }
0x124: {  	s23 =	spop @p0 (v2sf)  }
0x125: {  	s22 =	sadd.s32 @p0 s22, s23;
	s23 =	simm.s32 $0x0  }
0x126: {  	s23 =	smov.u32 @p0 s22;
	v6, _, _ =	vpop (xrf0)  }
0x127: {  	v6 =	vadd.s32 s23, v6  }
0x128: {  	vm3 =	vgt.s32 v7, v4;
	vm4 =	vle.s32 v6, v5  }
0x129: {  	vm1 =	vmand vm1, vm3;
	vm3 =	vmand vm2, vm4  }
0x12a: {  	(v2sf) =	vpush @p0 v8, $0x0;
	v4 =	vmpcnt.ones.xlane vm2;
	vm1 =	vmor vm1, vm3  }
0x12b: {  	v5 =	vmpcnt.ones.xlane vm1  }
0x12c: {  	(v2sf) =	vpush v4, $0x0  }
0x12d: {  	(v2sf) =	vpush v5, $0x0;
	_ =	sdelay $0x7  }
0x12e: {  	s21 =	sadd.s32 @p0 $0x10, s21  }
0x12f: {  	s20 =	smov.u32 @p0 s21  }
0x130: {  	v4 =	vld [tilespmem:s20+$0x0];
	_ =	sdelay $0x1  }
0x131: {  	s20 =	spop @p0 (v2sf)  }
0x132: {  	s19 =	sadd.s32 @p0 s19, s20  }
0x133: {  	s18 =	smov.u32 @p0 s19;
	s30 =	spop (v2sf)  }
0x134: {  	[tilespmem:s18+$0x10050] =	vst.msk vm1, v4;
	s31 =	spop (v2sf)  }
.LBB2_30:
0x135: {  	s19 =	simm.s32 $0x0  }
0x136: {  	v4 =	vld [tilespmem:s19+$0x10050];
	_ =	sdelay $0x4  }
0x137: {  	v5 =	vshll.u32 v4, $0x3  }
0x138: {  	v4 =	vand.u32 $0x7F, v4;
	v5 =	vand.u32 $0xFFFFFC00, v5  }
0x139: {  	s18 =	simm.s32 $0x10;
	s20 =	simm.s32 $0x80;
	v4 =	vor.u32 v4, v5  }
.LBB2_31:
0x13a: {  	p0 =	sne.s32 s20, $0x1FC0;
	v5 =	vld [tilespmem:s18+$0x10050];
	[tilespmem:s19+$0x10860] =	vst v4;
	v6 =	vor.u32 $0x80, v4;
	v7 =	vor.u32 $0x100, v4;
	v8 =	vor.u32 $0x380, v4  }
0x13b: {  	v9 =	vor.u32 $0x180, v4;
	v10 =	vor.u32 $0x200, v4;
	v11 =	vor.u32 $0x280, v4;
	[tilespmem:s19+$0x14060] =	vst v8  }
0x13c: {  	[tilespmem:s19+$0x11060] =	vst v6;
	v6 =	vor.u32 $0x300, v4  }
.Ltmp21:
0x13d: {  	[tilespmem:s19+$0x11860] =	vst v7;
	(pc) =	sbr.rel @p0 .LBB2_31-.Ltmp21, $4  }
0x13e: {  	[tilespmem:s19+$0x12060] =	vst v9  }
0x13f: {  	v4 =	vshll.u32 v5, $0x3;
	[tilespmem:s19+$0x12860] =	vst v10  }
0x140: {  	v5 =	vand.u32 $0x7F, v5;
	v4 =	vand.u32 $0xFFFFFC00, v4;
	[tilespmem:s19+$0x13060] =	vst v11  }
0x141: {  	v4 =	vor.u32 v5, v4;
	[tilespmem:s19+$0x13860] =	vst v6;
	s19 =	smov.u32 s18;
	s18 =	sshra.s32 s20, $0x2;
	s20 =	sadd.s32 $0x40, s20  }
0x142: {  	v5 =	vld [tilespmem:s18+$0x10050];
	[tilespmem:s19+$0x10860] =	vst v4;
	v6 =	vor.u32 $0x380, v4  }
0x143: {  	v7 =	vor.u32 $0x80, v4;
	[tilespmem:s19+$0x14060] =	vst v6  }
0x144: {  	v57 =	vor.u32 $0x100, v4;
	[tilespmem:s19+$0x11060] =	vst v7  }
0x145: {  	v58 =	vor.u32 $0x180, v4;
	[tilespmem:s19+$0x11860] =	vst v57  }
0x146: {  	v59 =	vor.u32 $0x200, v4;
	[tilespmem:s19+$0x12060] =	vst v58  }
0x147: {  	v60 =	vor.u32 $0x280, v4;
	[tilespmem:s19+$0x12860] =	vst v59;
	v8 =	vshll.u32 v5, $0x3  }
0x148: {  	v4 =	vor.u32 $0x300, v4;
	[tilespmem:s19+$0x13060] =	vst v60;
	v5 =	vand.u32 $0x7F, v5;
	v61 =	vand.u32 $0xFFFFFC00, v8  }
0x149: {  	[tilespmem:s19+$0x13860] =	vst v4;
	v5 =	vor.u32 v5, v61  }
0x14a: {  	[tilespmem:s18+$0x10860] =	vst v5;
	v4 =	vor.u32 $0x380, v5  }
0x14b: {  	v6 =	vor.u32 $0x80, v5;
	[tilespmem:s18+$0x14060] =	vst v4  }
0x14c: {  	v62 =	vor.u32 $0x180, v5;
	[tilespmem:s18+$0x11060] =	vst v6  }
0x14d: {  	v63 =	vor.u32 $0x280, v5;
	[tilespmem:s18+$0x12060] =	vst v62  }
.Ltmp22:
0x14e: {  	v4 =	vor.u32 $0x100, v5;
	[tilespmem:s18+$0x13060] =	vst v63;
	(pc) =	sbr.rel .LBB2_33-.Ltmp22, $4  }
0x14f: {  	[tilespmem:s18+$0x11860] =	vst v4;
	v4 =	vor.u32 $0x200, v5  }
0x150: {  	[tilespmem:s18+$0x12860] =	vst v4;
	v4 =	vor.u32 $0x300, v5  }
0x151: {  	[tilespmem:s18+$0x13860] =	vst v4;
	s18 =	simm.s32 $0x0  }
0x152: {  	[tilespmem:s14], [sflag:$0x2] =	stream.indirect.gather [hbm4b:s7+s12], $0x1, s13, s12, $0xb8;
	[tilespmem:$0x1C870] =	vst v63  }
.LBB2_35:
0x153: {  	_ =	swait.ge [sflag:s15], $0x4000;
	p0 =	slt.u32 s19, $0x4  }
.Ltmp23:
0x154: {  	s20 =	sor.u32 s6, s18;
	s31 =	sshll.u32 s18, $0xE;
	(pc) =	sbr.rel @!p0 .LBB2_36-.Ltmp23, $4  }
0x155: {  	[sflag:s15] =	ssyncset.done $0x0;
	s20 =	sshll.u32 s20, $0xB;
	s18 =	sand.u32 $0x4000, s31  }
0x156: {  	[sflag:s15] =	ssyncadd.s32 $0xFFFFC000;
	s20 =	sadd.s32 s20, s8;
	s18 =	sadd.s32 $0x14870, s18  }
0x157: {  	[hbm4b:s20+s3] =	stream.linear.scatter [tilespmem:s18], [sflag:$0x3], $0x4000, $0x38;
	[tilespmem:$0x1C870] =	vst v63  }
0x158: {  	s18 =	smov.u32 s19  }
.LBB2_33:
0x159: {  	p0 =	seq.s32 s18, $0x0  }
0x15a: {  	p1 =	seq.s32 @!p0 s18, $0x3  }
0x15b: {  	p1 =	por p0, !p1  }
.Ltmp24:
0x15c: {  	_ = 	snop;
	(pc) =	sbr.rel @!p1 .LBB2_35-.Ltmp24, $4  }
0x15d: {  	s19 =	simm.s32 @!p0 $0x3  }
0x15e: {  	_ =	swait.ge @!p0 [sflag:s19], $0x4000  }
0x15f: {  	[sflag:s19] =	ssyncset.done @!p0 $0x0  }
0x160: {  	[sflag:s19] =	ssyncadd.s32 @!p0 $0xFFFFC000;
	s19 =	simm.s32 @!p0 $0x4  }
0x161: {  	s19 =	sadd.s32 @!p0 $0x1, s18  }
0x162: {  	s19 =	simm.s32 @p0 $0x1  }
0x163: {  	s20 =	sadd.s32 s6, s19  }
.Ltmp25:
0x164: {  	s20 =	sshll.u32 s20, $0x12;
	(pc) =	sbr.rel .LBB2_35-.Ltmp25, $4  }
0x165: {  	s21 =	sshll.u32 s19, $0xE;
	s20 =	sadd.s32 s4, s20  }
0x166: {  	s21 =	sand.u32 $0x4000, s21;
	s20 =	sshrl.u32 s20, $0x3  }
0x167: {  	s21 =	sadd.s32 $0x14870, s21;
	s20 =	sadd.s32 s1, s20  }
0x168: {  	[tilespmem:s21], [sflag:$0x2] =	stream.indirect.gather [hbm4b:s20+s12], $0x1, s13, s12, $0xb8;
	[tilespmem:$0x1C870] =	vst v63  }
.LBB2_25:
.Ltmp26:
0x169: {  	(pc) =	sbr.rel .LBB2_29-.Ltmp26, $3  }
0x16a: {  	_ =	sdelay $0x1  }
0x16b: {  	s23 =	simm.s32 $0x0  }
0x16c: {  	s22 =	simm.s32 $0x0;
	s21 =	simm.s32 $0xE040;
	s19 =	simm.s32 $0x0  }
.LBB2_27:
.Ltmp27:
0x16d: {  	(pc) =	sbr.rel .LBB2_29-.Ltmp27, $3  }
0x16e: {  	_ =	sdelay $0x1  }
0x16f: {  	s23 =	simm.s32 $0x0  }
0x170: {  	s22 =	simm.s32 $0x0;
	s21 =	simm.s32 $0xE040;
	s19 =	simm.s32 $0x0  }
.LBB2_37:
0x171: {  	_ =	sfence.sel $0x180000  }
0x172: {  	[bflag:$0x0] =	sbarrier.arrive $0xFFFF  }
0x173: {  	p0 =	sne.s32 s2, $0x0;
	_ =	strace $0x90000047  }
0x174: {  	s0 =	sadd.s32 @!p0 $0x100000, s0;
	[bflag:$0x2] =	sbarrier.arrive $0xFFFF  }
0x175: {  	[sflag:s0] =	ssyncadd.tile.s32 @!p0 $0x1;
	_ =	shalt  }
.Lfunc_end2:
_tile_overlayer_lowered:
.L_overlay_start_2:
0x176: {  	(tag) =	ssettag $0x2  }
0x177: {  	s0 =	rddreg [dreg:$0x0];
	s2 =	stileid.u32  }
0x178: {  	s1 =	rddreg [dreg:$0x1];
	p0 =	sne.s32 s2, $0x0  }
0x179: {  	s3 =	rddreg [dreg:$0x2];
	[bflag:$0x3] =	sbarrier.arrive $0xFFFF;
	s2 =	simm.s32 @!p0 $0x1C04  }
0x17a: {  	[timem:s3], [sflag:s2] =	dma.local @!p0 [hbm:s0], s1  }
0x17b: {  	s0 =	simm.s32 @!p0 $0x4  }
0x17c: {  	_ =	swait.ge @!p0 [sflag:s0], s1  }
0x17d: {  	s1 =	ssub.s32 @!p0 $0x0, s1;
	[sflag:s0] =	ssyncset.done @!p0 $0x0  }
0x17e: {  	[sflag:s0] =	ssyncadd.s32 @!p0 s1  }
0x17f: {  	[bflag:$0x3] =	sbarrier.arrive $0xFFFF  }
0x180: {  	_ =	shalt  }

</sc_bundles>
